<compile_context>
chip_gen: v7x
topology: tpu7x:2x2x1
jax: 0.10.2.dev20260603
libtpu: 0.0.44.dev20260713+nightly
codegen_flags: <defaults>
</compile_context>

<pallas_src>
import functools

import jax
import jax.numpy as jnp
from jax import lax
from jax.experimental import pallas as pl
from jax.experimental.pallas import tpu as pltpu
from jax.experimental.pallas import tpu_sc as plsc

VOCAB = 32128
D_MODEL = 1024
BATCH = 4
SEQ = 2048

NC, NS, L = 2, 16, 16
NW = NC * NS
TOTAL = BATCH * SEQ
B_PER_W = TOTAL // NW
W_PER_B = SEQ // B_PER_W
CHUNK = 32
NCH = B_PER_W // CHUNK
NBUF = 3

_F32_MIN = float(jnp.finfo(jnp.float32).min)


def _sc_body(ids_hbm, mask_hbm, table_hbm, out_hbm, ext_hbm,
             idx_v, mask_v, ext_v, bufs, gsems, wsems, esem):
    wid = lax.axis_index("s") * NC + lax.axis_index("c")
    base = wid * B_PER_W
    row = wid // W_PER_B
    col = (wid % W_PER_B) * B_PER_W

    pltpu.sync_copy(ids_hbm.at[row, pl.ds(col, B_PER_W)], idx_v)

    def gather(j):
        return pltpu.async_copy(
            table_hbm.at[idx_v.at[pl.ds(j * CHUNK, CHUNK)]],
            bufs[j % NBUF], gsems[j % NBUF])

    gcopies = {j: gather(j) for j in range(NBUF - 1)}

    pltpu.sync_copy(mask_hbm.at[row, pl.ds(col, B_PER_W)], mask_v)
    for m in range(B_PER_W // L):
        v = mask_v[pl.ds(m * L, L)].astype(jnp.float32)
        ext_v[pl.ds(m * L, L)] = (1.0 - v) * _F32_MIN
    ecopy = pltpu.async_copy(ext_v, ext_hbm.at[pl.ds(base, B_PER_W)], esem)

    wcopies = {}
    for j in range(NCH):
        if j >= 1:
            wcopies[j - 1].wait()
        if j + NBUF - 1 < NCH:
            gcopies[j + NBUF - 1] = gather(j + NBUF - 1)
        gcopies[j].wait()
        wcopies[j] = pltpu.async_copy(
            bufs[j % NBUF], out_hbm.at[pl.ds(base + j * CHUNK, CHUNK)],
            wsems[j % NBUF])
    wcopies[NCH - 1].wait()
    ecopy.wait()


@jax.jit
def _sc_embed(ids, mask, table):
    mesh = plsc.VectorSubcoreMesh(core_axis_name="c", subcore_axis_name="s")
    fn = pl.kernel(
        _sc_body,
        out_type=[
            jax.ShapeDtypeStruct((TOTAL, D_MODEL), jnp.float32),
            jax.ShapeDtypeStruct((TOTAL,), jnp.float32),
        ],
        mesh=mesh,
        scratch_types=[
            pltpu.VMEM((B_PER_W,), jnp.int32),
            pltpu.VMEM((B_PER_W,), jnp.int32),
            pltpu.VMEM((B_PER_W,), jnp.float32),
            [pltpu.VMEM((CHUNK, D_MODEL), jnp.float32) for _ in range(NBUF)],
            [pltpu.SemaphoreType.DMA for _ in range(NBUF)],
            [pltpu.SemaphoreType.DMA for _ in range(NBUF)],
            pltpu.SemaphoreType.DMA,
        ],
        name="t5_embed_gather_sc",
    )
    return fn(ids, mask, table)


def kernel(encoder_input_ids, encoder_attention_mask, embed_table):
    ids = encoder_input_ids.astype(jnp.int32)
    mask = encoder_attention_mask.astype(jnp.int32)
    hidden_flat, ext_flat = _sc_embed(ids, mask, embed_table)
    hidden = hidden_flat.reshape(BATCH, SEQ, D_MODEL)
    ext = ext_flat.reshape(BATCH, 1, 1, SEQ)
    return (encoder_attention_mask, ext, hidden)

# --- scband reference (transcript-rebuilt; emitter-appended) ---
"""Pipeline reference for scband-t5-embedding-pipe-55147380080860 (READ-ONLY COPY).

The authoritative reference and input builder live on the scoring server;
editing this copy changes nothing except your own understanding.
"""

import jax, jax.numpy as jnp
import numpy as np

VOCAB = 32128
D_MODEL = 1024
BATCH = 4
SEQ = 2048


def setup_inputs(seed: int = 0) -> dict:
    key = jax.random.key(seed)
    k_ids, k_tbl = jax.random.split(key)
    encoder_input_ids = jax.random.randint(k_ids, (BATCH, SEQ), 0, VOCAB, dtype=jnp.int64 if jax.config.jax_enable_x64 else jnp.int32)
    encoder_attention_mask = jnp.ones((BATCH, SEQ), dtype=encoder_input_ids.dtype)
    embed_table = jax.random.normal(k_tbl, (VOCAB, D_MODEL), dtype=jnp.float32)
    return {
        "encoder_input_ids": encoder_input_ids,
        "encoder_attention_mask": encoder_attention_mask,
        "embed_table": embed_table,
    }


def _get_extended_attention_mask(attention_mask):
    # HF-style broadcastable mask for encoder (is_decoder=False):
    # [B, S] -> [B, 1, 1, S]; 1 -> 0.0, 0 -> large negative
    ext = attention_mask[:, None, None, :].astype(jnp.float32)
    ext = (1.0 - ext) * jnp.finfo(jnp.float32).min
    return ext


def reference(encoder_input_ids, encoder_attention_mask, embed_table):
    # embedding lookup (gather) -- SparseCore friendly
    encoder_hidden_states = jnp.take(embed_table, encoder_input_ids, axis=0)
    # dropout is identity in eval mode
    extended_attention_mask = _get_extended_attention_mask(encoder_attention_mask)
    return (encoder_attention_mask, extended_attention_mask, encoder_hidden_states)

if __name__ == "__main__":
    import jax
    _d = setup_inputs()
    print(jax.jit(kernel)(*tuple(_d.values())))

</pallas_src>

<mosaic_0001>
#map = affine_map<(d0, d1) -> (0, 0)>
#map1 = affine_map<(d0, d1) -> (0)>
module attributes {stable_mosaic.version = 14 : i64} {
  func.func @t5_embed_gather_sc(%arg0: i32, %arg1: i32, %arg2: memref<4x2048xi32, #tpu.memory_space<hbm>>, %arg3: memref<4x2048xi32, #tpu.memory_space<hbm>>, %arg4: memref<32128x1024xf32, #tpu.memory_space<hbm>>, %arg5: memref<8192x1024xf32, #tpu.memory_space<hbm>>, %arg6: memref<8192xf32, #tpu.memory_space<hbm>>, %arg7: memref<256xi32, #tpu.memory_space<vmem>>, %arg8: memref<256xi32, #tpu.memory_space<vmem>>, %arg9: memref<256xf32, #tpu.memory_space<vmem>>, %arg10: memref<32x1024xf32, #tpu.memory_space<vmem>>, %arg11: memref<32x1024xf32, #tpu.memory_space<vmem>>, %arg12: memref<32x1024xf32, #tpu.memory_space<vmem>>, %arg13: memref<!tpu.dma_semaphore, #tpu.memory_space<semaphore_mem>>, %arg14: memref<!tpu.dma_semaphore, #tpu.memory_space<semaphore_mem>>, %arg15: memref<!tpu.dma_semaphore, #tpu.memory_space<semaphore_mem>>, %arg16: memref<!tpu.dma_semaphore, #tpu.memory_space<semaphore_mem>>, %arg17: memref<!tpu.dma_semaphore, #tpu.memory_space<semaphore_mem>>, %arg18: memref<!tpu.dma_semaphore, #tpu.memory_space<semaphore_mem>>, %arg19: memref<!tpu.dma_semaphore, #tpu.memory_space<semaphore_mem>>) attributes {dimension_semantics = [#tpu.dimension_semantics<core_parallel>, #tpu.dimension_semantics<subcore_parallel>], iteration_bounds = array<i64: 2, 16>, scalar_prefetch = 0 : i64, scratch_operands = 13 : i64, tpu.core_type = #tpu.core_type<sc_vector_subcore>, window_params = [{transform_indices = #map}, {transform_indices = #map}, {transform_indices = #map}, {transform_indices = #map}, {transform_indices = #map1}]} {
    %mul3A = arith.constant 2 : i32
    %mul3A_0 = arith.muli %arg1, %mul3A : i32
    %add3A = arith.addi %mul3A_0, %arg0 : i32
    %mul3A_1 = arith.constant 256 : i32
    %mul3A_2 = arith.muli %add3A, %mul3A_1 : i32
    %jit3A = arith.constant 8 : i32
    %div3A = arith.divsi %add3A, %jit3A : i32
    %sign3A = arith.constant 0 : i32
    %sign3A_3 = arith.cmpi sgt, %add3A, %sign3A : i32
    %sign3A_4 = arith.extui %sign3A_3 : i1 to i32
    %sign3A_5 = arith.constant 0 : i32
    %sign3A_6 = arith.cmpi slt, %add3A, %sign3A_5 : i32
    %sign3A_7 = arith.extui %sign3A_6 : i1 to i32
    %sign3A_8 = arith.subi %sign3A_4, %sign3A_7 : i32
    %sign3A_9 = arith.constant 0 : i32
    %sign3A_10 = arith.cmpi sgt, %jit3A, %sign3A_9 : i32
    %sign3A_11 = arith.extui %sign3A_10 : i1 to i32
    %sign3A_12 = arith.constant 0 : i32
    %sign3A_13 = arith.cmpi slt, %jit3A, %sign3A_12 : i32
    %sign3A_14 = arith.extui %sign3A_13 : i1 to i32
    %sign3A_15 = arith.subi %sign3A_11, %sign3A_14 : i32
    %ne3A = arith.cmpi ne, %sign3A_8, %sign3A_15 : i32
    %rem3A = arith.remsi %add3A, %jit3A : i32
    %ne3A_16 = arith.constant 0 : i32
    %ne3A_17 = arith.cmpi ne, %rem3A, %ne3A_16 : i32
    %and3A = arith.andi %ne3A, %ne3A_17 : i1
    %sub3A = arith.constant 1 : i32
    %sub3A_18 = arith.subi %div3A, %sub3A : i32
    %select_n3A = arith.select %and3A, %sub3A_18, %div3A : i32
    %jit3A_19 = arith.constant 8 : i32
    %eq3A = arith.constant 0 : i32
    %eq3A_20 = arith.cmpi eq, %jit3A_19, %eq3A : i32
    %jit3A_21 = arith.constant 1 : i32
    %select_n3A_22 = arith.select %eq3A_20, %jit3A_21, %jit3A_19 : i32
    %rem3A_23 = arith.remsi %add3A, %select_n3A_22 : i32
    %ne3A_24 = arith.constant 0 : i32
    %ne3A_25 = arith.cmpi ne, %rem3A_23, %ne3A_24 : i32
    %lt3A = arith.constant 0 : i32
    %lt3A_26 = arith.cmpi slt, %rem3A_23, %lt3A : i32
    %lt3A_27 = arith.constant 0 : i32
    %lt3A_28 = arith.cmpi slt, %select_n3A_22, %lt3A_27 : i32
    %ne3A_29 = arith.xori %lt3A_26, %lt3A_28 : i1
    %and3A_30 = arith.andi %ne3A_29, %ne3A_25 : i1
    %add3A_31 = arith.addi %rem3A_23, %select_n3A_22 : i32
    %select_n3A_32 = arith.select %and3A_30, %add3A_31, %rem3A_23 : i32
    %mul3A_33 = arith.constant 256 : i32
    %mul3A_34 = arith.muli %select_n3A_32, %mul3A_33 : i32
    "tpu.region"() ({
      %run_scoped3A = tpu.sem_alloc : memref<!tpu.dma_semaphore, #tpu.memory_space<semaphore_mem>>
      %dma_start3A_418 = tpu.memref_slice %arg2[%select_n3A, %mul3A_34] : memref<4x2048xi32, #tpu.memory_space<hbm>> -> memref<1x256xi32, #tpu.memory_space<hbm>>
      %dma_start3A_419 = tpu.memref_squeeze %dma_start3A_418 : memref<1x256xi32, #tpu.memory_space<hbm>> -> memref<256xi32, #tpu.memory_space<hbm>>
      %dma_start3A_420 = tpu.memref_slice %arg2[%select_n3A, %mul3A_34] : memref<4x2048xi32, #tpu.memory_space<hbm>> -> memref<1x256xi32, #tpu.memory_space<hbm>>
      %dma_start3A_421 = tpu.memref_squeeze %dma_start3A_420 : memref<1x256xi32, #tpu.memory_space<hbm>> -> memref<256xi32, #tpu.memory_space<hbm>>
      tpu.enqueue_dma source(%dma_start3A_421 : memref<256xi32, #tpu.memory_space<hbm>>) target(%arg7 : memref<256xi32, #tpu.memory_space<vmem>>) target_semaphore(%run_scoped3A : memref<!tpu.dma_semaphore, #tpu.memory_space<semaphore_mem>>)
      %dma_wait3A_422 = tpu.memref_slice %arg2[%select_n3A, %mul3A_34] : memref<4x2048xi32, #tpu.memory_space<hbm>> -> memref<1x256xi32, #tpu.memory_space<hbm>>
      %dma_wait3A_423 = tpu.memref_squeeze %dma_wait3A_422 : memref<1x256xi32, #tpu.memory_space<hbm>> -> memref<256xi32, #tpu.memory_space<hbm>>
      %dma_wait3A_424 = tpu.memref_slice %arg2[%select_n3A, %mul3A_34] : memref<4x2048xi32, #tpu.memory_space<hbm>> -> memref<1x256xi32, #tpu.memory_space<hbm>>
      %dma_wait3A_425 = tpu.memref_squeeze %dma_wait3A_424 : memref<1x256xi32, #tpu.memory_space<hbm>> -> memref<256xi32, #tpu.memory_space<hbm>>
      tpu.wait_dma2 semaphore(%run_scoped3A : memref<!tpu.dma_semaphore, #tpu.memory_space<semaphore_mem>>) src(%dma_wait3A_425 : memref<256xi32, #tpu.memory_space<hbm>>) dst(%arg7 : memref<256xi32, #tpu.memory_space<vmem>>)
      tpu.yield
    }) : () -> ()
    %dma_start3A = arith.constant 0 : i32
    %dma_start3A_35 = tpu.memref_slice %arg7[%dma_start3A] : memref<256xi32, #tpu.memory_space<vmem>> -> memref<32xi32, #tpu.memory_space<vmem>>
    %dma_start3A_36 = arith.constant 0 : i32
    %dma_start3A_37 = arith.constant 0 : i32
    %dma_start3A_38 = tpu.memref_slice %arg4[%dma_start3A_36, %dma_start3A_37] : memref<32128x1024xf32, #tpu.memory_space<hbm>> -> memref<32128x1024xf32, #tpu.memory_space<hbm>>
    tpu.enqueue_indirect_dma source(%dma_start3A_38 : memref<32128x1024xf32, #tpu.memory_space<hbm>>) target(%arg10 : memref<32x1024xf32, #tpu.memory_space<vmem>>) offsets(%dma_start3A_35 : memref<32xi32, #tpu.memory_space<vmem>>) semaphore(%arg13 : memref<!tpu.dma_semaphore, #tpu.memory_space<semaphore_mem>>)
    %dma_start3A_39 = arith.constant 32 : i32
    %dma_start3A_40 = tpu.memref_slice %arg7[%dma_start3A_39] : memref<256xi32, #tpu.memory_space<vmem>> -> memref<32xi32, #tpu.memory_space<vmem>>
    %dma_start3A_41 = arith.constant 0 : i32
    %dma_start3A_42 = arith.constant 0 : i32
    %dma_start3A_43 = tpu.memref_slice %arg4[%dma_start3A_41, %dma_start3A_42] : memref<32128x1024xf32, #tpu.memory_space<hbm>> -> memref<32128x1024xf32, #tpu.memory_space<hbm>>
    tpu.enqueue_indirect_dma source(%dma_start3A_43 : memref<32128x1024xf32, #tpu.memory_space<hbm>>) target(%arg11 : memref<32x1024xf32, #tpu.memory_space<vmem>>) offsets(%dma_start3A_40 : memref<32xi32, #tpu.memory_space<vmem>>) semaphore(%arg14 : memref<!tpu.dma_semaphore, #tpu.memory_space<semaphore_mem>>)
    "tpu.region"() ({
      %run_scoped3A = tpu.sem_alloc : memref<!tpu.dma_semaphore, #tpu.memory_space<semaphore_mem>>
      %dma_start3A_418 = tpu.memref_slice %arg3[%select_n3A, %mul3A_34] : memref<4x2048xi32, #tpu.memory_space<hbm>> -> memref<1x256xi32, #tpu.memory_space<hbm>>
      %dma_start3A_419 = tpu.memref_squeeze %dma_start3A_418 : memref<1x256xi32, #tpu.memory_space<hbm>> -> memref<256xi32, #tpu.memory_space<hbm>>
      %dma_start3A_420 = tpu.memref_slice %arg3[%select_n3A, %mul3A_34] : memref<4x2048xi32, #tpu.memory_space<hbm>> -> memref<1x256xi32, #tpu.memory_space<hbm>>
      %dma_start3A_421 = tpu.memref_squeeze %dma_start3A_420 : memref<1x256xi32, #tpu.memory_space<hbm>> -> memref<256xi32, #tpu.memory_space<hbm>>
      tpu.enqueue_dma source(%dma_start3A_421 : memref<256xi32, #tpu.memory_space<hbm>>) target(%arg8 : memref<256xi32, #tpu.memory_space<vmem>>) target_semaphore(%run_scoped3A : memref<!tpu.dma_semaphore, #tpu.memory_space<semaphore_mem>>)
      %dma_wait3A_422 = tpu.memref_slice %arg3[%select_n3A, %mul3A_34] : memref<4x2048xi32, #tpu.memory_space<hbm>> -> memref<1x256xi32, #tpu.memory_space<hbm>>
      %dma_wait3A_423 = tpu.memref_squeeze %dma_wait3A_422 : memref<1x256xi32, #tpu.memory_space<hbm>> -> memref<256xi32, #tpu.memory_space<hbm>>
      %dma_wait3A_424 = tpu.memref_slice %arg3[%select_n3A, %mul3A_34] : memref<4x2048xi32, #tpu.memory_space<hbm>> -> memref<1x256xi32, #tpu.memory_space<hbm>>
      %dma_wait3A_425 = tpu.memref_squeeze %dma_wait3A_424 : memref<1x256xi32, #tpu.memory_space<hbm>> -> memref<256xi32, #tpu.memory_space<hbm>>
      tpu.wait_dma2 semaphore(%run_scoped3A : memref<!tpu.dma_semaphore, #tpu.memory_space<semaphore_mem>>) src(%dma_wait3A_425 : memref<256xi32, #tpu.memory_space<hbm>>) dst(%arg8 : memref<256xi32, #tpu.memory_space<vmem>>)
      tpu.yield
    }) : () -> ()
    %get3A = arith.constant 0 : index
    %get3A_44 = tpu.vector_load %arg8[%get3A] {strides = array<i32>} : memref<256xi32, #tpu.memory_space<vmem>>, vector<16xi32>,
    %get3A_45 = vector.shape_cast %get3A_44 : vector<16xi32> to vector<16xi32>
    %convert_element_type3A = arith.sitofp %get3A_45 : vector<16xi32> to vector<16xf32>
    %sub3A_46 = arith.constant 1.000000e+00 : f32
    %sub3A_47 = vector.broadcast %sub3A_46 : f32 to vector<16xf32>
    %sub3A_48 = arith.subf %sub3A_47, %convert_element_type3A : vector<16xf32>
    %mul3A_49 = arith.constant -3.40282347E+38 : f32
    %mul3A_50 = vector.broadcast %mul3A_49 : f32 to vector<16xf32>
    %mul3A_51 = arith.mulf %sub3A_48, %mul3A_50 : vector<16xf32>
    %swap3A = arith.constant 0 : index
    %swap3A_52 = tpu.vector_load %arg9[%swap3A] {strides = array<i32>} : memref<256xf32, #tpu.memory_space<vmem>>, vector<16xf32>,
    %swap3A_53 = vector.shape_cast %swap3A_52 : vector<16xf32> to vector<16xf32>
    %swap3A_54 = vector.shape_cast %mul3A_51 : vector<16xf32> to vector<16xf32>
    tpu.vector_store %arg9[%swap3A], %swap3A_54 {strides = array<i32>} : memref<256xf32, #tpu.memory_space<vmem>>, vector<16xf32>,
    %get3A_55 = arith.constant 16 : index
    %get3A_56 = tpu.vector_load %arg8[%get3A_55] {strides = array<i32>} : memref<256xi32, #tpu.memory_space<vmem>>, vector<16xi32>,
    %get3A_57 = vector.shape_cast %get3A_56 : vector<16xi32> to vector<16xi32>
    %convert_element_type3A_58 = arith.sitofp %get3A_57 : vector<16xi32> to vector<16xf32>
    %sub3A_59 = arith.constant 1.000000e+00 : f32
    %sub3A_60 = vector.broadcast %sub3A_59 : f32 to vector<16xf32>
    %sub3A_61 = arith.subf %sub3A_60, %convert_element_type3A_58 : vector<16xf32>
    %mul3A_62 = arith.constant -3.40282347E+38 : f32
    %mul3A_63 = vector.broadcast %mul3A_62 : f32 to vector<16xf32>
    %mul3A_64 = arith.mulf %sub3A_61, %mul3A_63 : vector<16xf32>
    %swap3A_65 = arith.constant 16 : index
    %swap3A_66 = tpu.vector_load %arg9[%swap3A_65] {strides = array<i32>} : memref<256xf32, #tpu.memory_space<vmem>>, vector<16xf32>,
    %swap3A_67 = vector.shape_cast %swap3A_66 : vector<16xf32> to vector<16xf32>
    %swap3A_68 = vector.shape_cast %mul3A_64 : vector<16xf32> to vector<16xf32>
    tpu.vector_store %arg9[%swap3A_65], %swap3A_68 {strides = array<i32>} : memref<256xf32, #tpu.memory_space<vmem>>, vector<16xf32>,
    %get3A_69 = arith.constant 32 : index
    %get3A_70 = tpu.vector_load %arg8[%get3A_69] {strides = array<i32>} : memref<256xi32, #tpu.memory_space<vmem>>, vector<16xi32>,
    %get3A_71 = vector.shape_cast %get3A_70 : vector<16xi32> to vector<16xi32>
    %convert_element_type3A_72 = arith.sitofp %get3A_71 : vector<16xi32> to vector<16xf32>
    %sub3A_73 = arith.constant 1.000000e+00 : f32
    %sub3A_74 = vector.broadcast %sub3A_73 : f32 to vector<16xf32>
    %sub3A_75 = arith.subf %sub3A_74, %convert_element_type3A_72 : vector<16xf32>
    %mul3A_76 = arith.constant -3.40282347E+38 : f32
    %mul3A_77 = vector.broadcast %mul3A_76 : f32 to vector<16xf32>
    %mul3A_78 = arith.mulf %sub3A_75, %mul3A_77 : vector<16xf32>
    %swap3A_79 = arith.constant 32 : index
    %swap3A_80 = tpu.vector_load %arg9[%swap3A_79] {strides = array<i32>} : memref<256xf32, #tpu.memory_space<vmem>>, vector<16xf32>,
    %swap3A_81 = vector.shape_cast %swap3A_80 : vector<16xf32> to vector<16xf32>
    %swap3A_82 = vector.shape_cast %mul3A_78 : vector<16xf32> to vector<16xf32>
    tpu.vector_store %arg9[%swap3A_79], %swap3A_82 {strides = array<i32>} : memref<256xf32, #tpu.memory_space<vmem>>, vector<16xf32>,
    %get3A_83 = arith.constant 48 : index
    %get3A_84 = tpu.vector_load %arg8[%get3A_83] {strides = array<i32>} : memref<256xi32, #tpu.memory_space<vmem>>, vector<16xi32>,
    %get3A_85 = vector.shape_cast %get3A_84 : vector<16xi32> to vector<16xi32>
    %convert_element_type3A_86 = arith.sitofp %get3A_85 : vector<16xi32> to vector<16xf32>
    %sub3A_87 = arith.constant 1.000000e+00 : f32
    %sub3A_88 = vector.broadcast %sub3A_87 : f32 to vector<16xf32>
    %sub3A_89 = arith.subf %sub3A_88, %convert_element_type3A_86 : vector<16xf32>
    %mul3A_90 = arith.constant -3.40282347E+38 : f32
    %mul3A_91 = vector.broadcast %mul3A_90 : f32 to vector<16xf32>
    %mul3A_92 = arith.mulf %sub3A_89, %mul3A_91 : vector<16xf32>
    %swap3A_93 = arith.constant 48 : index
    %swap3A_94 = tpu.vector_load %arg9[%swap3A_93] {strides = array<i32>} : memref<256xf32, #tpu.memory_space<vmem>>, vector<16xf32>,
    %swap3A_95 = vector.shape_cast %swap3A_94 : vector<16xf32> to vector<16xf32>
    %swap3A_96 = vector.shape_cast %mul3A_92 : vector<16xf32> to vector<16xf32>
    tpu.vector_store %arg9[%swap3A_93], %swap3A_96 {strides = array<i32>} : memref<256xf32, #tpu.memory_space<vmem>>, vector<16xf32>,
    %get3A_97 = arith.constant 64 : index
    %get3A_98 = tpu.vector_load %arg8[%get3A_97] {strides = array<i32>} : memref<256xi32, #tpu.memory_space<vmem>>, vector<16xi32>,
    %get3A_99 = vector.shape_cast %get3A_98 : vector<16xi32> to vector<16xi32>
    %convert_element_type3A_100 = arith.sitofp %get3A_99 : vector<16xi32> to vector<16xf32>
    %sub3A_101 = arith.constant 1.000000e+00 : f32
    %sub3A_102 = vector.broadcast %sub3A_101 : f32 to vector<16xf32>
    %sub3A_103 = arith.subf %sub3A_102, %convert_element_type3A_100 : vector<16xf32>
    %mul3A_104 = arith.constant -3.40282347E+38 : f32
    %mul3A_105 = vector.broadcast %mul3A_104 : f32 to vector<16xf32>
    %mul3A_106 = arith.mulf %sub3A_103, %mul3A_105 : vector<16xf32>
    %swap3A_107 = arith.constant 64 : index
    %swap3A_108 = tpu.vector_load %arg9[%swap3A_107] {strides = array<i32>} : memref<256xf32, #tpu.memory_space<vmem>>, vector<16xf32>,
    %swap3A_109 = vector.shape_cast %swap3A_108 : vector<16xf32> to vector<16xf32>
    %swap3A_110 = vector.shape_cast %mul3A_106 : vector<16xf32> to vector<16xf32>
    tpu.vector_store %arg9[%swap3A_107], %swap3A_110 {strides = array<i32>} : memref<256xf32, #tpu.memory_space<vmem>>, vector<16xf32>,
    %get3A_111 = arith.constant 80 : index
    %get3A_112 = tpu.vector_load %arg8[%get3A_111] {strides = array<i32>} : memref<256xi32, #tpu.memory_space<vmem>>, vector<16xi32>,
    %get3A_113 = vector.shape_cast %get3A_112 : vector<16xi32> to vector<16xi32>
    %convert_element_type3A_114 = arith.sitofp %get3A_113 : vector<16xi32> to vector<16xf32>
    %sub3A_115 = arith.constant 1.000000e+00 : f32
    %sub3A_116 = vector.broadcast %sub3A_115 : f32 to vector<16xf32>
    %sub3A_117 = arith.subf %sub3A_116, %convert_element_type3A_114 : vector<16xf32>
    %mul3A_118 = arith.constant -3.40282347E+38 : f32
    %mul3A_119 = vector.broadcast %mul3A_118 : f32 to vector<16xf32>
    %mul3A_120 = arith.mulf %sub3A_117, %mul3A_119 : vector<16xf32>
    %swap3A_121 = arith.constant 80 : index
    %swap3A_122 = tpu.vector_load %arg9[%swap3A_121] {strides = array<i32>} : memref<256xf32, #tpu.memory_space<vmem>>, vector<16xf32>,
    %swap3A_123 = vector.shape_cast %swap3A_122 : vector<16xf32> to vector<16xf32>
    %swap3A_124 = vector.shape_cast %mul3A_120 : vector<16xf32> to vector<16xf32>
    tpu.vector_store %arg9[%swap3A_121], %swap3A_124 {strides = array<i32>} : memref<256xf32, #tpu.memory_space<vmem>>, vector<16xf32>,
    %get3A_125 = arith.constant 96 : index
    %get3A_126 = tpu.vector_load %arg8[%get3A_125] {strides = array<i32>} : memref<256xi32, #tpu.memory_space<vmem>>, vector<16xi32>,
    %get3A_127 = vector.shape_cast %get3A_126 : vector<16xi32> to vector<16xi32>
    %convert_element_type3A_128 = arith.sitofp %get3A_127 : vector<16xi32> to vector<16xf32>
    %sub3A_129 = arith.constant 1.000000e+00 : f32
    %sub3A_130 = vector.broadcast %sub3A_129 : f32 to vector<16xf32>
    %sub3A_131 = arith.subf %sub3A_130, %convert_element_type3A_128 : vector<16xf32>
    %mul3A_132 = arith.constant -3.40282347E+38 : f32
    %mul3A_133 = vector.broadcast %mul3A_132 : f32 to vector<16xf32>
    %mul3A_134 = arith.mulf %sub3A_131, %mul3A_133 : vector<16xf32>
    %swap3A_135 = arith.constant 96 : index
    %swap3A_136 = tpu.vector_load %arg9[%swap3A_135] {strides = array<i32>} : memref<256xf32, #tpu.memory_space<vmem>>, vector<16xf32>,
    %swap3A_137 = vector.shape_cast %swap3A_136 : vector<16xf32> to vector<16xf32>
    %swap3A_138 = vector.shape_cast %mul3A_134 : vector<16xf32> to vector<16xf32>
    tpu.vector_store %arg9[%swap3A_135], %swap3A_138 {strides = array<i32>} : memref<256xf32, #tpu.memory_space<vmem>>, vector<16xf32>,
    %get3A_139 = arith.constant 112 : index
    %get3A_140 = tpu.vector_load %arg8[%get3A_139] {strides = array<i32>} : memref<256xi32, #tpu.memory_space<vmem>>, vector<16xi32>,
    %get3A_141 = vector.shape_cast %get3A_140 : vector<16xi32> to vector<16xi32>
    %convert_element_type3A_142 = arith.sitofp %get3A_141 : vector<16xi32> to vector<16xf32>
    %sub3A_143 = arith.constant 1.000000e+00 : f32
    %sub3A_144 = vector.broadcast %sub3A_143 : f32 to vector<16xf32>
    %sub3A_145 = arith.subf %sub3A_144, %convert_element_type3A_142 : vector<16xf32>
    %mul3A_146 = arith.constant -3.40282347E+38 : f32
    %mul3A_147 = vector.broadcast %mul3A_146 : f32 to vector<16xf32>
    %mul3A_148 = arith.mulf %sub3A_145, %mul3A_147 : vector<16xf32>
    %swap3A_149 = arith.constant 112 : index
    %swap3A_150 = tpu.vector_load %arg9[%swap3A_149] {strides = array<i32>} : memref<256xf32, #tpu.memory_space<vmem>>, vector<16xf32>,
    %swap3A_151 = vector.shape_cast %swap3A_150 : vector<16xf32> to vector<16xf32>
    %swap3A_152 = vector.shape_cast %mul3A_148 : vector<16xf32> to vector<16xf32>
    tpu.vector_store %arg9[%swap3A_149], %swap3A_152 {strides = array<i32>} : memref<256xf32, #tpu.memory_space<vmem>>, vector<16xf32>,
    %get3A_153 = arith.constant 128 : index
    %get3A_154 = tpu.vector_load %arg8[%get3A_153] {strides = array<i32>} : memref<256xi32, #tpu.memory_space<vmem>>, vector<16xi32>,
    %get3A_155 = vector.shape_cast %get3A_154 : vector<16xi32> to vector<16xi32>
    %convert_element_type3A_156 = arith.sitofp %get3A_155 : vector<16xi32> to vector<16xf32>
    %sub3A_157 = arith.constant 1.000000e+00 : f32
    %sub3A_158 = vector.broadcast %sub3A_157 : f32 to vector<16xf32>
    %sub3A_159 = arith.subf %sub3A_158, %convert_element_type3A_156 : vector<16xf32>
    %mul3A_160 = arith.constant -3.40282347E+38 : f32
    %mul3A_161 = vector.broadcast %mul3A_160 : f32 to vector<16xf32>
    %mul3A_162 = arith.mulf %sub3A_159, %mul3A_161 : vector<16xf32>
    %swap3A_163 = arith.constant 128 : index
    %swap3A_164 = tpu.vector_load %arg9[%swap3A_163] {strides = array<i32>} : memref<256xf32, #tpu.memory_space<vmem>>, vector<16xf32>,
    %swap3A_165 = vector.shape_cast %swap3A_164 : vector<16xf32> to vector<16xf32>
    %swap3A_166 = vector.shape_cast %mul3A_162 : vector<16xf32> to vector<16xf32>
    tpu.vector_store %arg9[%swap3A_163], %swap3A_166 {strides = array<i32>} : memref<256xf32, #tpu.memory_space<vmem>>, vector<16xf32>,
    %get3A_167 = arith.constant 144 : index
    %get3A_168 = tpu.vector_load %arg8[%get3A_167] {strides = array<i32>} : memref<256xi32, #tpu.memory_space<vmem>>, vector<16xi32>,
    %get3A_169 = vector.shape_cast %get3A_168 : vector<16xi32> to vector<16xi32>
    %convert_element_type3A_170 = arith.sitofp %get3A_169 : vector<16xi32> to vector<16xf32>
    %sub3A_171 = arith.constant 1.000000e+00 : f32
    %sub3A_172 = vector.broadcast %sub3A_171 : f32 to vector<16xf32>
    %sub3A_173 = arith.subf %sub3A_172, %convert_element_type3A_170 : vector<16xf32>
    %mul3A_174 = arith.constant -3.40282347E+38 : f32
    %mul3A_175 = vector.broadcast %mul3A_174 : f32 to vector<16xf32>
    %mul3A_176 = arith.mulf %sub3A_173, %mul3A_175 : vector<16xf32>
    %swap3A_177 = arith.constant 144 : index
    %swap3A_178 = tpu.vector_load %arg9[%swap3A_177] {strides = array<i32>} : memref<256xf32, #tpu.memory_space<vmem>>, vector<16xf32>,
    %swap3A_179 = vector.shape_cast %swap3A_178 : vector<16xf32> to vector<16xf32>
    %swap3A_180 = vector.shape_cast %mul3A_176 : vector<16xf32> to vector<16xf32>
    tpu.vector_store %arg9[%swap3A_177], %swap3A_180 {strides = array<i32>} : memref<256xf32, #tpu.memory_space<vmem>>, vector<16xf32>,
    %get3A_181 = arith.constant 160 : index
    %get3A_182 = tpu.vector_load %arg8[%get3A_181] {strides = array<i32>} : memref<256xi32, #tpu.memory_space<vmem>>, vector<16xi32>,
    %get3A_183 = vector.shape_cast %get3A_182 : vector<16xi32> to vector<16xi32>
    %convert_element_type3A_184 = arith.sitofp %get3A_183 : vector<16xi32> to vector<16xf32>
    %sub3A_185 = arith.constant 1.000000e+00 : f32
    %sub3A_186 = vector.broadcast %sub3A_185 : f32 to vector<16xf32>
    %sub3A_187 = arith.subf %sub3A_186, %convert_element_type3A_184 : vector<16xf32>
    %mul3A_188 = arith.constant -3.40282347E+38 : f32
    %mul3A_189 = vector.broadcast %mul3A_188 : f32 to vector<16xf32>
    %mul3A_190 = arith.mulf %sub3A_187, %mul3A_189 : vector<16xf32>
    %swap3A_191 = arith.constant 160 : index
    %swap3A_192 = tpu.vector_load %arg9[%swap3A_191] {strides = array<i32>} : memref<256xf32, #tpu.memory_space<vmem>>, vector<16xf32>,
    %swap3A_193 = vector.shape_cast %swap3A_192 : vector<16xf32> to vector<16xf32>
    %swap3A_194 = vector.shape_cast %mul3A_190 : vector<16xf32> to vector<16xf32>
    tpu.vector_store %arg9[%swap3A_191], %swap3A_194 {strides = array<i32>} : memref<256xf32, #tpu.memory_space<vmem>>, vector<16xf32>,
    %get3A_195 = arith.constant 176 : index
    %get3A_196 = tpu.vector_load %arg8[%get3A_195] {strides = array<i32>} : memref<256xi32, #tpu.memory_space<vmem>>, vector<16xi32>,
    %get3A_197 = vector.shape_cast %get3A_196 : vector<16xi32> to vector<16xi32>
    %convert_element_type3A_198 = arith.sitofp %get3A_197 : vector<16xi32> to vector<16xf32>
    %sub3A_199 = arith.constant 1.000000e+00 : f32
    %sub3A_200 = vector.broadcast %sub3A_199 : f32 to vector<16xf32>
    %sub3A_201 = arith.subf %sub3A_200, %convert_element_type3A_198 : vector<16xf32>
    %mul3A_202 = arith.constant -3.40282347E+38 : f32
    %mul3A_203 = vector.broadcast %mul3A_202 : f32 to vector<16xf32>
    %mul3A_204 = arith.mulf %sub3A_201, %mul3A_203 : vector<16xf32>
    %swap3A_205 = arith.constant 176 : index
    %swap3A_206 = tpu.vector_load %arg9[%swap3A_205] {strides = array<i32>} : memref<256xf32, #tpu.memory_space<vmem>>, vector<16xf32>,
    %swap3A_207 = vector.shape_cast %swap3A_206 : vector<16xf32> to vector<16xf32>
    %swap3A_208 = vector.shape_cast %mul3A_204 : vector<16xf32> to vector<16xf32>
    tpu.vector_store %arg9[%swap3A_205], %swap3A_208 {strides = array<i32>} : memref<256xf32, #tpu.memory_space<vmem>>, vector<16xf32>,
    %get3A_209 = arith.constant 192 : index
    %get3A_210 = tpu.vector_load %arg8[%get3A_209] {strides = array<i32>} : memref<256xi32, #tpu.memory_space<vmem>>, vector<16xi32>,
    %get3A_211 = vector.shape_cast %get3A_210 : vector<16xi32> to vector<16xi32>
    %convert_element_type3A_212 = arith.sitofp %get3A_211 : vector<16xi32> to vector<16xf32>
    %sub3A_213 = arith.constant 1.000000e+00 : f32
    %sub3A_214 = vector.broadcast %sub3A_213 : f32 to vector<16xf32>
    %sub3A_215 = arith.subf %sub3A_214, %convert_element_type3A_212 : vector<16xf32>
    %mul3A_216 = arith.constant -3.40282347E+38 : f32
    %mul3A_217 = vector.broadcast %mul3A_216 : f32 to vector<16xf32>
    %mul3A_218 = arith.mulf %sub3A_215, %mul3A_217 : vector<16xf32>
    %swap3A_219 = arith.constant 192 : index
    %swap3A_220 = tpu.vector_load %arg9[%swap3A_219] {strides = array<i32>} : memref<256xf32, #tpu.memory_space<vmem>>, vector<16xf32>,
    %swap3A_221 = vector.shape_cast %swap3A_220 : vector<16xf32> to vector<16xf32>
    %swap3A_222 = vector.shape_cast %mul3A_218 : vector<16xf32> to vector<16xf32>
    tpu.vector_store %arg9[%swap3A_219], %swap3A_222 {strides = array<i32>} : memref<256xf32, #tpu.memory_space<vmem>>, vector<16xf32>,
    %get3A_223 = arith.constant 208 : index
    %get3A_224 = tpu.vector_load %arg8[%get3A_223] {strides = array<i32>} : memref<256xi32, #tpu.memory_space<vmem>>, vector<16xi32>,
    %get3A_225 = vector.shape_cast %get3A_224 : vector<16xi32> to vector<16xi32>
    %convert_element_type3A_226 = arith.sitofp %get3A_225 : vector<16xi32> to vector<16xf32>
    %sub3A_227 = arith.constant 1.000000e+00 : f32
    %sub3A_228 = vector.broadcast %sub3A_227 : f32 to vector<16xf32>
    %sub3A_229 = arith.subf %sub3A_228, %convert_element_type3A_226 : vector<16xf32>
    %mul3A_230 = arith.constant -3.40282347E+38 : f32
    %mul3A_231 = vector.broadcast %mul3A_230 : f32 to vector<16xf32>
    %mul3A_232 = arith.mulf %sub3A_229, %mul3A_231 : vector<16xf32>
    %swap3A_233 = arith.constant 208 : index
    %swap3A_234 = tpu.vector_load %arg9[%swap3A_233] {strides = array<i32>} : memref<256xf32, #tpu.memory_space<vmem>>, vector<16xf32>,
    %swap3A_235 = vector.shape_cast %swap3A_234 : vector<16xf32> to vector<16xf32>
    %swap3A_236 = vector.shape_cast %mul3A_232 : vector<16xf32> to vector<16xf32>
    tpu.vector_store %arg9[%swap3A_233], %swap3A_236 {strides = array<i32>} : memref<256xf32, #tpu.memory_space<vmem>>, vector<16xf32>,
    %get3A_237 = arith.constant 224 : index
    %get3A_238 = tpu.vector_load %arg8[%get3A_237] {strides = array<i32>} : memref<256xi32, #tpu.memory_space<vmem>>, vector<16xi32>,
    %get3A_239 = vector.shape_cast %get3A_238 : vector<16xi32> to vector<16xi32>
    %convert_element_type3A_240 = arith.sitofp %get3A_239 : vector<16xi32> to vector<16xf32>
    %sub3A_241 = arith.constant 1.000000e+00 : f32
    %sub3A_242 = vector.broadcast %sub3A_241 : f32 to vector<16xf32>
    %sub3A_243 = arith.subf %sub3A_242, %convert_element_type3A_240 : vector<16xf32>
    %mul3A_244 = arith.constant -3.40282347E+38 : f32
    %mul3A_245 = vector.broadcast %mul3A_244 : f32 to vector<16xf32>
    %mul3A_246 = arith.mulf %sub3A_243, %mul3A_245 : vector<16xf32>
    %swap3A_247 = arith.constant 224 : index
    %swap3A_248 = tpu.vector_load %arg9[%swap3A_247] {strides = array<i32>} : memref<256xf32, #tpu.memory_space<vmem>>, vector<16xf32>,
    %swap3A_249 = vector.shape_cast %swap3A_248 : vector<16xf32> to vector<16xf32>
    %swap3A_250 = vector.shape_cast %mul3A_246 : vector<16xf32> to vector<16xf32>
    tpu.vector_store %arg9[%swap3A_247], %swap3A_250 {strides = array<i32>} : memref<256xf32, #tpu.memory_space<vmem>>, vector<16xf32>,
    %get3A_251 = arith.constant 240 : index
    %get3A_252 = tpu.vector_load %arg8[%get3A_251] {strides = array<i32>} : memref<256xi32, #tpu.memory_space<vmem>>, vector<16xi32>,
    %get3A_253 = vector.shape_cast %get3A_252 : vector<16xi32> to vector<16xi32>
    %convert_element_type3A_254 = arith.sitofp %get3A_253 : vector<16xi32> to vector<16xf32>
    %sub3A_255 = arith.constant 1.000000e+00 : f32
    %sub3A_256 = vector.broadcast %sub3A_255 : f32 to vector<16xf32>
    %sub3A_257 = arith.subf %sub3A_256, %convert_element_type3A_254 : vector<16xf32>
    %mul3A_258 = arith.constant -3.40282347E+38 : f32
    %mul3A_259 = vector.broadcast %mul3A_258 : f32 to vector<16xf32>
    %mul3A_260 = arith.mulf %sub3A_257, %mul3A_259 : vector<16xf32>
    %swap3A_261 = arith.constant 240 : index
    %swap3A_262 = tpu.vector_load %arg9[%swap3A_261] {strides = array<i32>} : memref<256xf32, #tpu.memory_space<vmem>>, vector<16xf32>,
    %swap3A_263 = vector.shape_cast %swap3A_262 : vector<16xf32> to vector<16xf32>
    %swap3A_264 = vector.shape_cast %mul3A_260 : vector<16xf32> to vector<16xf32>
    tpu.vector_store %arg9[%swap3A_261], %swap3A_264 {strides = array<i32>} : memref<256xf32, #tpu.memory_space<vmem>>, vector<16xf32>,
    %dma_start3A_265 = tpu.memref_slice %arg6[%mul3A_2] : memref<8192xf32, #tpu.memory_space<hbm>> -> memref<256xf32, #tpu.memory_space<hbm>>
    %dma_start3A_266 = tpu.memref_slice %arg6[%mul3A_2] : memref<8192xf32, #tpu.memory_space<hbm>> -> memref<256xf32, #tpu.memory_space<hbm>>
    tpu.enqueue_dma source(%arg9 : memref<256xf32, #tpu.memory_space<vmem>>) target(%dma_start3A_266 : memref<256xf32, #tpu.memory_space<hbm>>) target_semaphore(%arg19 : memref<!tpu.dma_semaphore, #tpu.memory_space<semaphore_mem>>)
    %dma_start3A_267 = arith.constant 64 : i32
    %dma_start3A_268 = tpu.memref_slice %arg7[%dma_start3A_267] : memref<256xi32, #tpu.memory_space<vmem>> -> memref<32xi32, #tpu.memory_space<vmem>>
    %dma_start3A_269 = arith.constant 0 : i32
    %dma_start3A_270 = arith.constant 0 : i32
    %dma_start3A_271 = tpu.memref_slice %arg4[%dma_start3A_269, %dma_start3A_270] : memref<32128x1024xf32, #tpu.memory_space<hbm>> -> memref<32128x1024xf32, #tpu.memory_space<hbm>>
    tpu.enqueue_indirect_dma source(%dma_start3A_271 : memref<32128x1024xf32, #tpu.memory_space<hbm>>) target(%arg12 : memref<32x1024xf32, #tpu.memory_space<vmem>>) offsets(%dma_start3A_268 : memref<32xi32, #tpu.memory_space<vmem>>) semaphore(%arg15 : memref<!tpu.dma_semaphore, #tpu.memory_space<semaphore_mem>>)
    %dma_wait3A = arith.constant 0 : i32
    %dma_wait3A_272 = tpu.memref_slice %arg7[%dma_wait3A] : memref<256xi32, #tpu.memory_space<vmem>> -> memref<32xi32, #tpu.memory_space<vmem>>
    %dma_wait3A_273 = arith.constant 0 : i32
    %dma_wait3A_274 = arith.constant 0 : i32
    %dma_wait3A_275 = tpu.memref_slice %arg4[%dma_wait3A_273, %dma_wait3A_274] : memref<32128x1024xf32, #tpu.memory_space<hbm>> -> memref<32128x1024xf32, #tpu.memory_space<hbm>>
    tpu.wait_indirect_dma semaphore(%arg13 : memref<!tpu.dma_semaphore, #tpu.memory_space<semaphore_mem>>) src(%dma_wait3A_275 : memref<32128x1024xf32, #tpu.memory_space<hbm>>) dst(%arg10 : memref<32x1024xf32, #tpu.memory_space<vmem>>)
    %add3A_276 = arith.constant 0 : i32
    %add3A_277 = arith.addi %mul3A_2, %add3A_276 : i32
    %dma_start3A_278 = arith.constant 0 : i32
    %dma_start3A_279 = tpu.memref_slice %arg5[%add3A_277, %dma_start3A_278] : memref<8192x1024xf32, #tpu.memory_space<hbm>> -> memref<32x1024xf32, #tpu.memory_space<hbm>>
    %dma_start3A_280 = arith.constant 0 : i32
    %dma_start3A_281 = tpu.memref_slice %arg5[%add3A_277, %dma_start3A_280] : memref<8192x1024xf32, #tpu.memory_space<hbm>> -> memref<32x1024xf32, #tpu.memory_space<hbm>>
    tpu.enqueue_dma source(%arg10 : memref<32x1024xf32, #tpu.memory_space<vmem>>) target(%dma_start3A_281 : memref<32x1024xf32, #tpu.memory_space<hbm>>) target_semaphore(%arg16 : memref<!tpu.dma_semaphore, #tpu.memory_space<semaphore_mem>>)
    %dma_wait3A_282 = arith.constant 0 : i32
    %dma_wait3A_283 = tpu.memref_slice %arg5[%add3A_277, %dma_wait3A_282] : memref<8192x1024xf32, #tpu.memory_space<hbm>> -> memref<32x1024xf32, #tpu.memory_space<hbm>>
    %dma_wait3A_284 = arith.constant 0 : i32
    %dma_wait3A_285 = tpu.memref_slice %arg5[%add3A_277, %dma_wait3A_284] : memref<8192x1024xf32, #tpu.memory_space<hbm>> -> memref<32x1024xf32, #tpu.memory_space<hbm>>
    tpu.wait_dma2 semaphore(%arg16 : memref<!tpu.dma_semaphore, #tpu.memory_space<semaphore_mem>>) src(%arg10 : memref<32x1024xf32, #tpu.memory_space<vmem>>) dst(%dma_wait3A_285 : memref<32x1024xf32, #tpu.memory_space<hbm>>)
    %dma_start3A_286 = arith.constant 96 : i32
    %dma_start3A_287 = tpu.memref_slice %arg7[%dma_start3A_286] : memref<256xi32, #tpu.memory_space<vmem>> -> memref<32xi32, #tpu.memory_space<vmem>>
    %dma_start3A_288 = arith.constant 0 : i32
    %dma_start3A_289 = arith.constant 0 : i32
    %dma_start3A_290 = tpu.memref_slice %arg4[%dma_start3A_288, %dma_start3A_289] : memref<32128x1024xf32, #tpu.memory_space<hbm>> -> memref<32128x1024xf32, #tpu.memory_space<hbm>>
    tpu.enqueue_indirect_dma source(%dma_start3A_290 : memref<32128x1024xf32, #tpu.memory_space<hbm>>) target(%arg10 : memref<32x1024xf32, #tpu.memory_space<vmem>>) offsets(%dma_start3A_287 : memref<32xi32, #tpu.memory_space<vmem>>) semaphore(%arg13 : memref<!tpu.dma_semaphore, #tpu.memory_space<semaphore_mem>>)
    %dma_wait3A_291 = arith.constant 32 : i32
    %dma_wait3A_292 = tpu.memref_slice %arg7[%dma_wait3A_291] : memref<256xi32, #tpu.memory_space<vmem>> -> memref<32xi32, #tpu.memory_space<vmem>>
    %dma_wait3A_293 = arith.constant 0 : i32
    %dma_wait3A_294 = arith.constant 0 : i32
    %dma_wait3A_295 = tpu.memref_slice %arg4[%dma_wait3A_293, %dma_wait3A_294] : memref<32128x1024xf32, #tpu.memory_space<hbm>> -> memref<32128x1024xf32, #tpu.memory_space<hbm>>
    tpu.wait_indirect_dma semaphore(%arg14 : memref<!tpu.dma_semaphore, #tpu.memory_space<semaphore_mem>>) src(%dma_wait3A_295 : memref<32128x1024xf32, #tpu.memory_space<hbm>>) dst(%arg11 : memref<32x1024xf32, #tpu.memory_space<vmem>>)
    %add3A_296 = arith.constant 32 : i32
    %add3A_297 = arith.addi %mul3A_2, %add3A_296 : i32
    %dma_start3A_298 = arith.constant 0 : i32
    %dma_start3A_299 = tpu.memref_slice %arg5[%add3A_297, %dma_start3A_298] : memref<8192x1024xf32, #tpu.memory_space<hbm>> -> memref<32x1024xf32, #tpu.memory_space<hbm>>
    %dma_start3A_300 = arith.constant 0 : i32
    %dma_start3A_301 = tpu.memref_slice %arg5[%add3A_297, %dma_start3A_300] : memref<8192x1024xf32, #tpu.memory_space<hbm>> -> memref<32x1024xf32, #tpu.memory_space<hbm>>
    tpu.enqueue_dma source(%arg11 : memref<32x1024xf32, #tpu.memory_space<vmem>>) target(%dma_start3A_301 : memref<32x1024xf32, #tpu.memory_space<hbm>>) target_semaphore(%arg17 : memref<!tpu.dma_semaphore, #tpu.memory_space<semaphore_mem>>)
    %dma_wait3A_302 = arith.constant 0 : i32
    %dma_wait3A_303 = tpu.memref_slice %arg5[%add3A_297, %dma_wait3A_302] : memref<8192x1024xf32, #tpu.memory_space<hbm>> -> memref<32x1024xf32, #tpu.memory_space<hbm>>
    %dma_wait3A_304 = arith.constant 0 : i32
    %dma_wait3A_305 = tpu.memref_slice %arg5[%add3A_297, %dma_wait3A_304] : memref<8192x1024xf32, #tpu.memory_space<hbm>> -> memref<32x1024xf32, #tpu.memory_space<hbm>>
    tpu.wait_dma2 semaphore(%arg17 : memref<!tpu.dma_semaphore, #tpu.memory_space<semaphore_mem>>) src(%arg11 : memref<32x1024xf32, #tpu.memory_space<vmem>>) dst(%dma_wait3A_305 : memref<32x1024xf32, #tpu.memory_space<hbm>>)
    %dma_start3A_306 = arith.constant 128 : i32
    %dma_start3A_307 = tpu.memref_slice %arg7[%dma_start3A_306] : memref<256xi32, #tpu.memory_space<vmem>> -> memref<32xi32, #tpu.memory_space<vmem>>
    %dma_start3A_308 = arith.constant 0 : i32
    %dma_start3A_309 = arith.constant 0 : i32
    %dma_start3A_310 = tpu.memref_slice %arg4[%dma_start3A_308, %dma_start3A_309] : memref<32128x1024xf32, #tpu.memory_space<hbm>> -> memref<32128x1024xf32, #tpu.memory_space<hbm>>
    tpu.enqueue_indirect_dma source(%dma_start3A_310 : memref<32128x1024xf32, #tpu.memory_space<hbm>>) target(%arg11 : memref<32x1024xf32, #tpu.memory_space<vmem>>) offsets(%dma_start3A_307 : memref<32xi32, #tpu.memory_space<vmem>>) semaphore(%arg14 : memref<!tpu.dma_semaphore, #tpu.memory_space<semaphore_mem>>)
    %dma_wait3A_311 = arith.constant 64 : i32
    %dma_wait3A_312 = tpu.memref_slice %arg7[%dma_wait3A_311] : memref<256xi32, #tpu.memory_space<vmem>> -> memref<32xi32, #tpu.memory_space<vmem>>
    %dma_wait3A_313 = arith.constant 0 : i32
    %dma_wait3A_314 = arith.constant 0 : i32
    %dma_wait3A_315 = tpu.memref_slice %arg4[%dma_wait3A_313, %dma_wait3A_314] : memref<32128x1024xf32, #tpu.memory_space<hbm>> -> memref<32128x1024xf32, #tpu.memory_space<hbm>>
    tpu.wait_indirect_dma semaphore(%arg15 : memref<!tpu.dma_semaphore, #tpu.memory_space<semaphore_mem>>) src(%dma_wait3A_315 : memref<32128x1024xf32, #tpu.memory_space<hbm>>) dst(%arg12 : memref<32x1024xf32, #tpu.memory_space<vmem>>)
    %add3A_316 = arith.constant 64 : i32
    %add3A_317 = arith.addi %mul3A_2, %add3A_316 : i32
    %dma_start3A_318 = arith.constant 0 : i32
    %dma_start3A_319 = tpu.memref_slice %arg5[%add3A_317, %dma_start3A_318] : memref<8192x1024xf32, #tpu.memory_space<hbm>> -> memref<32x1024xf32, #tpu.memory_space<hbm>>
    %dma_start3A_320 = arith.constant 0 : i32
    %dma_start3A_321 = tpu.memref_slice %arg5[%add3A_317, %dma_start3A_320] : memref<8192x1024xf32, #tpu.memory_space<hbm>> -> memref<32x1024xf32, #tpu.memory_space<hbm>>
    tpu.enqueue_dma source(%arg12 : memref<32x1024xf32, #tpu.memory_space<vmem>>) target(%dma_start3A_321 : memref<32x1024xf32, #tpu.memory_space<hbm>>) target_semaphore(%arg18 : memref<!tpu.dma_semaphore, #tpu.memory_space<semaphore_mem>>)
    %dma_wait3A_322 = arith.constant 0 : i32
    %dma_wait3A_323 = tpu.memref_slice %arg5[%add3A_317, %dma_wait3A_322] : memref<8192x1024xf32, #tpu.memory_space<hbm>> -> memref<32x1024xf32, #tpu.memory_space<hbm>>
    %dma_wait3A_324 = arith.constant 0 : i32
    %dma_wait3A_325 = tpu.memref_slice %arg5[%add3A_317, %dma_wait3A_324] : memref<8192x1024xf32, #tpu.memory_space<hbm>> -> memref<32x1024xf32, #tpu.memory_space<hbm>>
    tpu.wait_dma2 semaphore(%arg18 : memref<!tpu.dma_semaphore, #tpu.memory_space<semaphore_mem>>) src(%arg12 : memref<32x1024xf32, #tpu.memory_space<vmem>>) dst(%dma_wait3A_325 : memref<32x1024xf32, #tpu.memory_space<hbm>>)
    %dma_start3A_326 = arith.constant 160 : i32
    %dma_start3A_327 = tpu.memref_slice %arg7[%dma_start3A_326] : memref<256xi32, #tpu.memory_space<vmem>> -> memref<32xi32, #tpu.memory_space<vmem>>
    %dma_start3A_328 = arith.constant 0 : i32
    %dma_start3A_329 = arith.constant 0 : i32
    %dma_start3A_330 = tpu.memref_slice %arg4[%dma_start3A_328, %dma_start3A_329] : memref<32128x1024xf32, #tpu.memory_space<hbm>> -> memref<32128x1024xf32, #tpu.memory_space<hbm>>
    tpu.enqueue_indirect_dma source(%dma_start3A_330 : memref<32128x1024xf32, #tpu.memory_space<hbm>>) target(%arg12 : memref<32x1024xf32, #tpu.memory_space<vmem>>) offsets(%dma_start3A_327 : memref<32xi32, #tpu.memory_space<vmem>>) semaphore(%arg15 : memref<!tpu.dma_semaphore, #tpu.memory_space<semaphore_mem>>)
    %dma_wait3A_331 = arith.constant 96 : i32
    %dma_wait3A_332 = tpu.memref_slice %arg7[%dma_wait3A_331] : memref<256xi32, #tpu.memory_space<vmem>> -> memref<32xi32, #tpu.memory_space<vmem>>
    %dma_wait3A_333 = arith.constant 0 : i32
    %dma_wait3A_334 = arith.constant 0 : i32
    %dma_wait3A_335 = tpu.memref_slice %arg4[%dma_wait3A_333, %dma_wait3A_334] : memref<32128x1024xf32, #tpu.memory_space<hbm>> -> memref<32128x1024xf32, #tpu.memory_space<hbm>>
    tpu.wait_indirect_dma semaphore(%arg13 : memref<!tpu.dma_semaphore, #tpu.memory_space<semaphore_mem>>) src(%dma_wait3A_335 : memref<32128x1024xf32, #tpu.memory_space<hbm>>) dst(%arg10 : memref<32x1024xf32, #tpu.memory_space<vmem>>)
    %add3A_336 = arith.constant 96 : i32
    %add3A_337 = arith.addi %mul3A_2, %add3A_336 : i32
    %dma_start3A_338 = arith.constant 0 : i32
    %dma_start3A_339 = tpu.memref_slice %arg5[%add3A_337, %dma_start3A_338] : memref<8192x1024xf32, #tpu.memory_space<hbm>> -> memref<32x1024xf32, #tpu.memory_space<hbm>>
    %dma_start3A_340 = arith.constant 0 : i32
    %dma_start3A_341 = tpu.memref_slice %arg5[%add3A_337, %dma_start3A_340] : memref<8192x1024xf32, #tpu.memory_space<hbm>> -> memref<32x1024xf32, #tpu.memory_space<hbm>>
    tpu.enqueue_dma source(%arg10 : memref<32x1024xf32, #tpu.memory_space<vmem>>) target(%dma_start3A_341 : memref<32x1024xf32, #tpu.memory_space<hbm>>) target_semaphore(%arg16 : memref<!tpu.dma_semaphore, #tpu.memory_space<semaphore_mem>>)
    %dma_wait3A_342 = arith.constant 0 : i32
    %dma_wait3A_343 = tpu.memref_slice %arg5[%add3A_337, %dma_wait3A_342] : memref<8192x1024xf32, #tpu.memory_space<hbm>> -> memref<32x1024xf32, #tpu.memory_space<hbm>>
    %dma_wait3A_344 = arith.constant 0 : i32
    %dma_wait3A_345 = tpu.memref_slice %arg5[%add3A_337, %dma_wait3A_344] : memref<8192x1024xf32, #tpu.memory_space<hbm>> -> memref<32x1024xf32, #tpu.memory_space<hbm>>
    tpu.wait_dma2 semaphore(%arg16 : memref<!tpu.dma_semaphore, #tpu.memory_space<semaphore_mem>>) src(%arg10 : memref<32x1024xf32, #tpu.memory_space<vmem>>) dst(%dma_wait3A_345 : memref<32x1024xf32, #tpu.memory_space<hbm>>)
    %dma_start3A_346 = arith.constant 192 : i32
    %dma_start3A_347 = tpu.memref_slice %arg7[%dma_start3A_346] : memref<256xi32, #tpu.memory_space<vmem>> -> memref<32xi32, #tpu.memory_space<vmem>>
    %dma_start3A_348 = arith.constant 0 : i32
    %dma_start3A_349 = arith.constant 0 : i32
    %dma_start3A_350 = tpu.memref_slice %arg4[%dma_start3A_348, %dma_start3A_349] : memref<32128x1024xf32, #tpu.memory_space<hbm>> -> memref<32128x1024xf32, #tpu.memory_space<hbm>>
    tpu.enqueue_indirect_dma source(%dma_start3A_350 : memref<32128x1024xf32, #tpu.memory_space<hbm>>) target(%arg10 : memref<32x1024xf32, #tpu.memory_space<vmem>>) offsets(%dma_start3A_347 : memref<32xi32, #tpu.memory_space<vmem>>) semaphore(%arg13 : memref<!tpu.dma_semaphore, #tpu.memory_space<semaphore_mem>>)
    %dma_wait3A_351 = arith.constant 128 : i32
    %dma_wait3A_352 = tpu.memref_slice %arg7[%dma_wait3A_351] : memref<256xi32, #tpu.memory_space<vmem>> -> memref<32xi32, #tpu.memory_space<vmem>>
    %dma_wait3A_353 = arith.constant 0 : i32
    %dma_wait3A_354 = arith.constant 0 : i32
    %dma_wait3A_355 = tpu.memref_slice %arg4[%dma_wait3A_353, %dma_wait3A_354] : memref<32128x1024xf32, #tpu.memory_space<hbm>> -> memref<32128x1024xf32, #tpu.memory_space<hbm>>
    tpu.wait_indirect_dma semaphore(%arg14 : memref<!tpu.dma_semaphore, #tpu.memory_space<semaphore_mem>>) src(%dma_wait3A_355 : memref<32128x1024xf32, #tpu.memory_space<hbm>>) dst(%arg11 : memref<32x1024xf32, #tpu.memory_space<vmem>>)
    %add3A_356 = arith.constant 128 : i32
    %add3A_357 = arith.addi %mul3A_2, %add3A_356 : i32
    %dma_start3A_358 = arith.constant 0 : i32
    %dma_start3A_359 = tpu.memref_slice %arg5[%add3A_357, %dma_start3A_358] : memref<8192x1024xf32, #tpu.memory_space<hbm>> -> memref<32x1024xf32, #tpu.memory_space<hbm>>
    %dma_start3A_360 = arith.constant 0 : i32
    %dma_start3A_361 = tpu.memref_slice %arg5[%add3A_357, %dma_start3A_360] : memref<8192x1024xf32, #tpu.memory_space<hbm>> -> memref<32x1024xf32, #tpu.memory_space<hbm>>
    tpu.enqueue_dma source(%arg11 : memref<32x1024xf32, #tpu.memory_space<vmem>>) target(%dma_start3A_361 : memref<32x1024xf32, #tpu.memory_space<hbm>>) target_semaphore(%arg17 : memref<!tpu.dma_semaphore, #tpu.memory_space<semaphore_mem>>)
    %dma_wait3A_362 = arith.constant 0 : i32
    %dma_wait3A_363 = tpu.memref_slice %arg5[%add3A_357, %dma_wait3A_362] : memref<8192x1024xf32, #tpu.memory_space<hbm>> -> memref<32x1024xf32, #tpu.memory_space<hbm>>
    %dma_wait3A_364 = arith.constant 0 : i32
    %dma_wait3A_365 = tpu.memref_slice %arg5[%add3A_357, %dma_wait3A_364] : memref<8192x1024xf32, #tpu.memory_space<hbm>> -> memref<32x1024xf32, #tpu.memory_space<hbm>>
    tpu.wait_dma2 semaphore(%arg17 : memref<!tpu.dma_semaphore, #tpu.memory_space<semaphore_mem>>) src(%arg11 : memref<32x1024xf32, #tpu.memory_space<vmem>>) dst(%dma_wait3A_365 : memref<32x1024xf32, #tpu.memory_space<hbm>>)
    %dma_start3A_366 = arith.constant 224 : i32
    %dma_start3A_367 = tpu.memref_slice %arg7[%dma_start3A_366] : memref<256xi32, #tpu.memory_space<vmem>> -> memref<32xi32, #tpu.memory_space<vmem>>
    %dma_start3A_368 = arith.constant 0 : i32
    %dma_start3A_369 = arith.constant 0 : i32
    %dma_start3A_370 = tpu.memref_slice %arg4[%dma_start3A_368, %dma_start3A_369] : memref<32128x1024xf32, #tpu.memory_space<hbm>> -> memref<32128x1024xf32, #tpu.memory_space<hbm>>
    tpu.enqueue_indirect_dma source(%dma_start3A_370 : memref<32128x1024xf32, #tpu.memory_space<hbm>>) target(%arg11 : memref<32x1024xf32, #tpu.memory_space<vmem>>) offsets(%dma_start3A_367 : memref<32xi32, #tpu.memory_space<vmem>>) semaphore(%arg14 : memref<!tpu.dma_semaphore, #tpu.memory_space<semaphore_mem>>)
    %dma_wait3A_371 = arith.constant 160 : i32
    %dma_wait3A_372 = tpu.memref_slice %arg7[%dma_wait3A_371] : memref<256xi32, #tpu.memory_space<vmem>> -> memref<32xi32, #tpu.memory_space<vmem>>
    %dma_wait3A_373 = arith.constant 0 : i32
    %dma_wait3A_374 = arith.constant 0 : i32
    %dma_wait3A_375 = tpu.memref_slice %arg4[%dma_wait3A_373, %dma_wait3A_374] : memref<32128x1024xf32, #tpu.memory_space<hbm>> -> memref<32128x1024xf32, #tpu.memory_space<hbm>>
    tpu.wait_indirect_dma semaphore(%arg15 : memref<!tpu.dma_semaphore, #tpu.memory_space<semaphore_mem>>) src(%dma_wait3A_375 : memref<32128x1024xf32, #tpu.memory_space<hbm>>) dst(%arg12 : memref<32x1024xf32, #tpu.memory_space<vmem>>)
    %add3A_376 = arith.constant 160 : i32
    %add3A_377 = arith.addi %mul3A_2, %add3A_376 : i32
    %dma_start3A_378 = arith.constant 0 : i32
    %dma_start3A_379 = tpu.memref_slice %arg5[%add3A_377, %dma_start3A_378] : memref<8192x1024xf32, #tpu.memory_space<hbm>> -> memref<32x1024xf32, #tpu.memory_space<hbm>>
    %dma_start3A_380 = arith.constant 0 : i32
    %dma_start3A_381 = tpu.memref_slice %arg5[%add3A_377, %dma_start3A_380] : memref<8192x1024xf32, #tpu.memory_space<hbm>> -> memref<32x1024xf32, #tpu.memory_space<hbm>>
    tpu.enqueue_dma source(%arg12 : memref<32x1024xf32, #tpu.memory_space<vmem>>) target(%dma_start3A_381 : memref<32x1024xf32, #tpu.memory_space<hbm>>) target_semaphore(%arg18 : memref<!tpu.dma_semaphore, #tpu.memory_space<semaphore_mem>>)
    %dma_wait3A_382 = arith.constant 0 : i32
    %dma_wait3A_383 = tpu.memref_slice %arg5[%add3A_377, %dma_wait3A_382] : memref<8192x1024xf32, #tpu.memory_space<hbm>> -> memref<32x1024xf32, #tpu.memory_space<hbm>>
    %dma_wait3A_384 = arith.constant 0 : i32
    %dma_wait3A_385 = tpu.memref_slice %arg5[%add3A_377, %dma_wait3A_384] : memref<8192x1024xf32, #tpu.memory_space<hbm>> -> memref<32x1024xf32, #tpu.memory_space<hbm>>
    tpu.wait_dma2 semaphore(%arg18 : memref<!tpu.dma_semaphore, #tpu.memory_space<semaphore_mem>>) src(%arg12 : memref<32x1024xf32, #tpu.memory_space<vmem>>) dst(%dma_wait3A_385 : memref<32x1024xf32, #tpu.memory_space<hbm>>)
    %dma_wait3A_386 = arith.constant 192 : i32
    %dma_wait3A_387 = tpu.memref_slice %arg7[%dma_wait3A_386] : memref<256xi32, #tpu.memory_space<vmem>> -> memref<32xi32, #tpu.memory_space<vmem>>
    %dma_wait3A_388 = arith.constant 0 : i32
    %dma_wait3A_389 = arith.constant 0 : i32
    %dma_wait3A_390 = tpu.memref_slice %arg4[%dma_wait3A_388, %dma_wait3A_389] : memref<32128x1024xf32, #tpu.memory_space<hbm>> -> memref<32128x1024xf32, #tpu.memory_space<hbm>>
    tpu.wait_indirect_dma semaphore(%arg13 : memref<!tpu.dma_semaphore, #tpu.memory_space<semaphore_mem>>) src(%dma_wait3A_390 : memref<32128x1024xf32, #tpu.memory_space<hbm>>) dst(%arg10 : memref<32x1024xf32, #tpu.memory_space<vmem>>)
    %add3A_391 = arith.constant 192 : i32
    %add3A_392 = arith.addi %mul3A_2, %add3A_391 : i32
    %dma_start3A_393 = arith.constant 0 : i32
    %dma_start3A_394 = tpu.memref_slice %arg5[%add3A_392, %dma_start3A_393] : memref<8192x1024xf32, #tpu.memory_space<hbm>> -> memref<32x1024xf32, #tpu.memory_space<hbm>>
    %dma_start3A_395 = arith.constant 0 : i32
    %dma_start3A_396 = tpu.memref_slice %arg5[%add3A_392, %dma_start3A_395] : memref<8192x1024xf32, #tpu.memory_space<hbm>> -> memref<32x1024xf32, #tpu.memory_space<hbm>>
    tpu.enqueue_dma source(%arg10 : memref<32x1024xf32, #tpu.memory_space<vmem>>) target(%dma_start3A_396 : memref<32x1024xf32, #tpu.memory_space<hbm>>) target_semaphore(%arg16 : memref<!tpu.dma_semaphore, #tpu.memory_space<semaphore_mem>>)
    %dma_wait3A_397 = arith.constant 0 : i32
    %dma_wait3A_398 = tpu.memref_slice %arg5[%add3A_392, %dma_wait3A_397] : memref<8192x1024xf32, #tpu.memory_space<hbm>> -> memref<32x1024xf32, #tpu.memory_space<hbm>>
    %dma_wait3A_399 = arith.constant 0 : i32
    %dma_wait3A_400 = tpu.memref_slice %arg5[%add3A_392, %dma_wait3A_399] : memref<8192x1024xf32, #tpu.memory_space<hbm>> -> memref<32x1024xf32, #tpu.memory_space<hbm>>
    tpu.wait_dma2 semaphore(%arg16 : memref<!tpu.dma_semaphore, #tpu.memory_space<semaphore_mem>>) src(%arg10 : memref<32x1024xf32, #tpu.memory_space<vmem>>) dst(%dma_wait3A_400 : memref<32x1024xf32, #tpu.memory_space<hbm>>)
    %dma_wait3A_401 = arith.constant 224 : i32
    %dma_wait3A_402 = tpu.memref_slice %arg7[%dma_wait3A_401] : memref<256xi32, #tpu.memory_space<vmem>> -> memref<32xi32, #tpu.memory_space<vmem>>
    %dma_wait3A_403 = arith.constant 0 : i32
    %dma_wait3A_404 = arith.constant 0 : i32
    %dma_wait3A_405 = tpu.memref_slice %arg4[%dma_wait3A_403, %dma_wait3A_404] : memref<32128x1024xf32, #tpu.memory_space<hbm>> -> memref<32128x1024xf32, #tpu.memory_space<hbm>>
    tpu.wait_indirect_dma semaphore(%arg14 : memref<!tpu.dma_semaphore, #tpu.memory_space<semaphore_mem>>) src(%dma_wait3A_405 : memref<32128x1024xf32, #tpu.memory_space<hbm>>) dst(%arg11 : memref<32x1024xf32, #tpu.memory_space<vmem>>)
    %add3A_406 = arith.constant 224 : i32
    %add3A_407 = arith.addi %mul3A_2, %add3A_406 : i32
    %dma_start3A_408 = arith.constant 0 : i32
    %dma_start3A_409 = tpu.memref_slice %arg5[%add3A_407, %dma_start3A_408] : memref<8192x1024xf32, #tpu.memory_space<hbm>> -> memref<32x1024xf32, #tpu.memory_space<hbm>>
    %dma_start3A_410 = arith.constant 0 : i32
    %dma_start3A_411 = tpu.memref_slice %arg5[%add3A_407, %dma_start3A_410] : memref<8192x1024xf32, #tpu.memory_space<hbm>> -> memref<32x1024xf32, #tpu.memory_space<hbm>>
    tpu.enqueue_dma source(%arg11 : memref<32x1024xf32, #tpu.memory_space<vmem>>) target(%dma_start3A_411 : memref<32x1024xf32, #tpu.memory_space<hbm>>) target_semaphore(%arg17 : memref<!tpu.dma_semaphore, #tpu.memory_space<semaphore_mem>>)
    %dma_wait3A_412 = arith.constant 0 : i32
    %dma_wait3A_413 = tpu.memref_slice %arg5[%add3A_407, %dma_wait3A_412] : memref<8192x1024xf32, #tpu.memory_space<hbm>> -> memref<32x1024xf32, #tpu.memory_space<hbm>>
    %dma_wait3A_414 = arith.constant 0 : i32
    %dma_wait3A_415 = tpu.memref_slice %arg5[%add3A_407, %dma_wait3A_414] : memref<8192x1024xf32, #tpu.memory_space<hbm>> -> memref<32x1024xf32, #tpu.memory_space<hbm>>
    tpu.wait_dma2 semaphore(%arg17 : memref<!tpu.dma_semaphore, #tpu.memory_space<semaphore_mem>>) src(%arg11 : memref<32x1024xf32, #tpu.memory_space<vmem>>) dst(%dma_wait3A_415 : memref<32x1024xf32, #tpu.memory_space<hbm>>)
    %dma_wait3A_416 = tpu.memref_slice %arg6[%mul3A_2] : memref<8192xf32, #tpu.memory_space<hbm>> -> memref<256xf32, #tpu.memory_space<hbm>>
    %dma_wait3A_417 = tpu.memref_slice %arg6[%mul3A_2] : memref<8192xf32, #tpu.memory_space<hbm>> -> memref<256xf32, #tpu.memory_space<hbm>>
    tpu.wait_dma2 semaphore(%arg19 : memref<!tpu.dma_semaphore, #tpu.memory_space<semaphore_mem>>) src(%arg9 : memref<256xf32, #tpu.memory_space<vmem>>) dst(%dma_wait3A_417 : memref<256xf32, #tpu.memory_space<hbm>>)
    return
  }
}

</mosaic_0001>

<sc_bundles>
// kernel: t5_embed_gather_sc.3.cloned.1.call-start
scs
__scs_entry_jumppad:
0x0: {  	(pc) =	sbr.rel $0x88, $3  }
0x1: {  	(tag) =	ssettag $0x0;
	lr =	simm.s32 $0x1  }
0x2: {  	[smem:$0x3F9E] =	sst lr;
	_ =	strace $0xD0000000  }
0x3: {  	_ = 	snop  }
0x4: {  	_ = 	snop  }
0x5: {  	_ = 	snop  }
0x6: {  	_ = 	snop  }
0x7: {  	_ = 	snop  }
__scs_overlays_trampoline_lowered:
0x8: {  	[smem:$0x3FAD] =	sst s0  }
0x9: {  	[smem:$0x3FAE] =	sst s1  }
0xa: {  	[smem:$0x3FAF] =	sst s2  }
0xb: {  	[smem:$0x3FB0] =	sst s3  }
0xc: {  	[smem:$0x3FB1] =	sst s4  }
0xd: {  	[smem:$0x3FB2] =	sst s5  }
0xe: {  	[smem:$0x3FB3] =	sst s6  }
0xf: {  	[smem:$0x3FB4] =	sst s7  }
0x10: {  	[smem:$0x3FB5] =	sst s8  }
0x11: {  	[smem:$0x3FB6] =	sst s9;
	s0 =	simm.s32 @!p0 $0x0  }
0x12: {  	s1 =	sld [smem:$0x3F9C];
	s0 =	simm.s32 @p0 $0x1  }
0x13: {  	[smem:$0x3FB7] =	sst s0;
	s0 =	simm.s32 @!p1 $0x0  }
0x14: {  	s2 =	sld [smem:$0x3F9B];
	s0 =	simm.s32 @p1 $0x1  }
0x15: {  	[smem:$0x3FB8] =	sst s0;
	s0 =	simm.s32 @!p2 $0x0  }
0x16: {  	s3 =	sld [smem:$0x3FDB];
	s0 =	simm.s32 @p2 $0x1  }
0x17: {  	s4 =	simm.s32 $0x1BF5;
	[smem:$0x3FBA] =	sst s0  }
0x18: {  	s0 =	sld [smem:$0x3F9D];
	_ =	swait.ge [sflag:s4], $0x0  }
0x19: {  	s7 =	sld [smem:$0x3F9E]  }
0x1a: {  	s8 =	sadd.s32 $0xFFFFE003, lr  }
0x1b: {  	s9 =	sadd.s32 $0xFFFFFEF7, lr;
	s5 =	simm.s32 $0xFFFFFFFF;
	p2 =	slt.u32 s8, $0xFFFFF086  }
0x1c: {  	p1 =	slt.u32 s9, $0xF7A;
	s5 =	simm.s32 @!p2 $0x0  }
0x1d: {  	s5 =	simm.s32 @p1 $0x1;
	p0 =	seq.s32 s7, s2  }
0x1e: {  	s7 =	smul.u32 @!p0 $0xF7A, s2;
	p2 =	seq.s32 @!p0 s5, $0x0  }
0x1f: {  	s9 =	smul.u32 $0xF7A, s1;
	s8 =	simm.s32 @!p0 $0x1BF5;
	p2 =	por !p2, p0  }
0x20: {  	[sflag:s8] =	ssyncset.s32 @!p0 $0xFFFFF086;
	s6 =	sadd.s32 @!p0 s3, s7;
	s7 =	simm.s32 @!p0 $0x108  }
0x21: {  	s3 =	sadd.s32 s3, s9;
	s6 =	sadd.s32 @!p0 $0x88, s6;
	s7 =	simm.s32 @p2 $0x1082  }
0x22: {  	[simem:s7], [sflag:s8] =	dma.local @!p0 [hbm:s6], $0xF7A  }
0x23: {  	s9 =	sor.u32 $0xD0000000, s2;
	s6 =	simm.s32 $0x108;
	_ =	swait.ge @!p0 [sflag:s8], $0x0  }
0x24: {  	s3 =	sadd.s32 $0x88, s3;
	s6 =	simm.s32 @!p1 $0x1082;
	[sflag:s4] =	ssyncset.s32 $0xFFFFF086  }
0x25: {  	[simem:s6], [sflag:s4] =	dma.local [hbm:s3], $0xF7A  }
0x26: {  	[smem:$0x3F9E] =	sst s1;
	(tag) =	ssettag s2;
	_ =	strace s9  }
0x27: {  	s1 =	sld [smem:$0x3FAE]  }
0x28: {  	s2 =	sld [smem:$0x3FAF]  }
0x29: {  	s4 =	sld [smem:$0x3FB1]  }
0x2a: {  	p0 =	seq.s32 s5, $0x0;
	s5 =	sld [smem:$0x3FB2]  }
0x2b: {  	s6 =	sld [smem:$0x3FB3]  }
0x2c: {  	s7 =	sld [smem:$0x3FB4]  }
0x2d: {  	s3 =	simm.s32 $0x108;
	s8 =	sld [smem:$0x3FB5]  }
0x2e: {  	s3 =	simm.s32 @!p0 $0x1082;
	s9 =	sld [smem:$0x3FB6]  }
0x2f: {  	lr =	sadd.s32 s0, s3;
	s0 =	sld [smem:$0x3FAD]  }
0x30: {  	s3 =	sld [smem:$0x3FB0]  }
0x31: {  	[smem:$0x3FB9] =	sst s10  }
0x32: {  	s10 =	sld [smem:$0x3FB7];
	_ =	sdelay $0x3  }
0x33: {  	p0 =	seq.s32 s10, $0x1;
	s10 =	sld [smem:$0x3FB9];
	_ =	sdelay $0x3  }
0x34: {  	[smem:$0x3FB9] =	sst s10  }
0x35: {  	s10 =	sld [smem:$0x3FB8];
	_ =	sdelay $0x3  }
0x36: {  	p1 =	seq.s32 s10, $0x1;
	s10 =	sld [smem:$0x3FB9];
	_ =	sdelay $0x3  }
0x37: {  	[smem:$0x3FB9] =	sst s10  }
0x38: {  	s10 =	sld [smem:$0x3FBA]  }
0x39: {  	_ = 	snop;
	(pc) =	sbr.ind lr, $3  }
0x3a: {  	_ = 	snop  }
0x3b: {  	_ = 	snop  }
0x3c: {  	p2 =	seq.s32 s10, $0x1;
	s10 =	sld [smem:$0x3FB9]  }
0x3d: {  	_ =	shalt  }
0x3e: {  	_ =	shalt  }
0x3f: {  	_ =	shalt  }
0x40: {  	_ =	shalt  }
0x41: {  	_ =	shalt  }
0x42: {  	_ =	shalt  }
0x43: {  	_ =	shalt  }
0x44: {  	_ =	shalt  }
0x45: {  	_ =	shalt  }
0x46: {  	_ =	shalt  }
0x47: {  	_ =	shalt  }
0x48: {  	_ =	shalt  }
0x49: {  	_ =	shalt  }
0x4a: {  	_ =	shalt  }
0x4b: {  	_ =	shalt  }
0x4c: {  	_ =	shalt  }
0x4d: {  	_ =	shalt  }
0x4e: {  	_ =	shalt  }
0x4f: {  	_ =	shalt  }
0x50: {  	_ =	shalt  }
0x51: {  	_ =	shalt  }
0x52: {  	_ =	shalt  }
0x53: {  	_ =	shalt  }
0x54: {  	_ =	shalt  }
0x55: {  	_ =	shalt  }
0x56: {  	_ =	shalt  }
0x57: {  	_ =	shalt  }
0x58: {  	_ =	shalt  }
0x59: {  	_ =	shalt  }
0x5a: {  	_ =	shalt  }
0x5b: {  	_ =	shalt  }
0x5c: {  	_ =	shalt  }
0x5d: {  	_ =	shalt  }
0x5e: {  	_ =	shalt  }
0x5f: {  	_ =	shalt  }
0x60: {  	_ =	shalt  }
0x61: {  	_ =	shalt  }
0x62: {  	_ =	shalt  }
0x63: {  	_ =	shalt  }
0x64: {  	_ =	shalt  }
0x65: {  	_ =	shalt  }
0x66: {  	_ =	shalt  }
0x67: {  	_ =	shalt  }
0x68: {  	_ =	shalt  }
0x69: {  	_ =	shalt  }
0x6a: {  	_ =	shalt  }
0x6b: {  	_ =	shalt  }
0x6c: {  	_ =	shalt  }
0x6d: {  	_ =	shalt  }
0x6e: {  	_ =	shalt  }
0x6f: {  	_ =	shalt  }
0x70: {  	_ =	shalt  }
0x71: {  	_ =	shalt  }
0x72: {  	_ =	shalt  }
0x73: {  	_ =	shalt  }
0x74: {  	_ =	shalt  }
0x75: {  	_ =	shalt  }
0x76: {  	_ =	shalt  }
0x77: {  	_ =	shalt  }
0x78: {  	_ =	shalt  }
0x79: {  	_ =	shalt  }
0x7a: {  	_ =	shalt  }
0x7b: {  	_ =	shalt  }
0x7c: {  	_ =	shalt  }
0x7d: {  	_ =	shalt  }
0x7e: {  	_ =	shalt  }
0x7f: {  	_ =	shalt  }
0x80: {  	_ =	shalt  }
0x81: {  	_ =	shalt  }
0x82: {  	_ =	shalt  }
0x83: {  	_ =	shalt  }
0x84: {  	_ =	shalt  }
0x85: {  	_ =	shalt  }
0x86: {  	_ =	shalt  }
0x87: {  	_ =	shalt  }
.Lfunc_end0:
.L_simem_size_0:
called_computation_lowered:
.L_overlay_start_0:
0x88: {  	s2 =	sld [smem:$0x3FD9]  }
0x89: {  	s3 =	sld [smem:$0x3FFE];
	_ =	sdelay $0x1  }
0x8a: {  	s1 =	srdreg.scid  }
0x8b: {  	s0 =	sand.u32 $0x1, s1  }
0x8c: {  	s15 =	sshll.u32 s0, $0xA;
	s2 =	sadd.s32 s3, s2  }
0x8d: {  	s2 =	sadd.s32 s2, s15  }
0x8e: {  	[smem:$0x3FC5] =	sst s2  }
0x8f: {  	_ = 	snop  }
0x90: {  	s2 =	sld [smem:$0x3FD0]  }
0x91: {  	s16 =	sld [smem:$0x3FC9]  }
0x92: {  	s4 =	sld [smem:$0x3FC8]  }
0x93: {  	s6 =	simm.s32 $0xA;
	s7 =	simm.s32 $0x10;
	s5 =	sld [smem:$0x3FC7]  }
0x94: {  	[smem:s7], [sflag:s6] =	dma.local [hbm:s2], $0x1  }
0x95: {  	_ =	swait.eq [sflag:s6], $0x1  }
0x96: {  	[sflag:s6] =	ssyncset.done $0x0  }
0x97: {  	s17 =	sld [smem:$0x10];
	[sflag:s6] =	ssyncadd.s32 $0xFFFFFFFF  }
0x98: {  	s18 =	sld [smem:$0x11];
	(tm) =	ssettm $0x1  }
0x99: {  	s19 =	sld [smem:$0x3FFB];
	_ =	sdelay $0x3  }
0x9a: {  	_ =	strace s19  }
0x9b: {  	s7 =	sld [smem:$0x3FFC];
	_ =	sdelay $0x3  }
0x9c: {  	_ =	strace s7  }
0x9d: {  	s7 =	sld [smem:$0x3FFD];
	_ =	sdelay $0x3  }
0x9e: {  	_ =	strace s7  }
0x9f: {  	_ =	strace $0x8FFFFFFF  }
0xa0: {  	s20 =	sld [smem:$0x3FDB];
	_ =	sdelay $0x1  }
0xa1: {  	s8 =	simm.s32 $_scs_section_size  }
0xa2: {  	s9 =	simm.s32 $_size__tile_overlayer_lowered;
	s10 =	simm.s32 $_tile_overlayer_lowered  }
0xa3: {  	s23 =	simm.s32 $0x1BFF;
	s22 =	sshll.u32 s10, $0x1;
	s7 =	sadd.s32 s8, s20  }
0xa4: {  	s11 =	simm.s32 $0x0;
	s21 =	sshll.u32 s9, $0x1;
	s9 =	sadd.s32 s22, s7  }
0xa5: {  	[timem:s11], [sflag:s23] =	dma.local [hbm:s9], s21  }
0xa6: {  	_ =	swait.ge [sflag:s23], s21  }
0xa7: {  	s8 =	ssub.s32 $0x0, s21;
	[sflag:s23] =	ssyncset.done $0x0  }
0xa8: {  	[sflag:s23] =	ssyncadd.s32 s8;
	_ =	sdelay $0x1  }
0xa9: {  	s24 =	simm.s32 $0x1B8B  }
0xaa: {  	_ =	swait.ge [sflag:s24], $0x1  }
0xab: {  	[sflag:s24] =	ssyncset.done $0x0  }
0xac: {  	s25 =	simm.s32 $0x1B8E;
	[sflag:s24] =	ssyncadd.s32 $0xFFFFFFFF  }
0xad: {  	s26 =	simm.s32 $execute0_lowered;
	[smem:$0x3FD2] =	sst s25  }
0xae: {  	s8 =	sshll.u32 s26, $0x1;
	_ =	strace $0x80000046;
	[dreg:$0x1] =	wrdreg $0xFFFFFFFF  }
0xaf: {  	s28 =	simm.s32 $_size_execute0_lowered;
	s7 =	sadd.s32 s7, s8;
	[dreg:$0x0] =	wrdreg $0x0  }
0xb0: {  	s8 =	sshll.u32 s28, $0x1;
	[dreg:$0x2] =	wrdreg s7  }
0xb1: {  	[dreg:$0x3] =	wrdreg s8  }
0xb2: {  	[dreg:$0x4] =	wrdreg $0xC0  }
0xb3: {  	_ =	task [dreg:s11], $0x5FFFF  }
0xb4: {  	[dreg:$0x1] =	wrdreg $0xFFFFFFFF  }
0xb5: {  	[dreg:$0x0] =	wrdreg $0x60  }
0xb6: {  	[dreg:$0x2] =	wrdreg s16  }
0xb7: {  	[dreg:$0x3] =	wrdreg s4  }
0xb8: {  	[dreg:$0x4] =	wrdreg s5  }
0xb9: {  	[dreg:$0x5] =	wrdreg s17  }
0xba: {  	[dreg:$0x6] =	wrdreg s18  }
0xbb: {  	[dreg:$0x7] =	wrdreg $0x9  }
0xbc: {  	_ =	task.clear_ibuf [dreg:s11], $0x8FFFF;
	_ =	strace $0x90000046  }
0xbd: {  	s29 =	simm.s32 $0x9;
	_ =	strace $0x80000048  }
0xbe: {  	_ =	swait.ge [sflag:s29], $0x1  }
0xbf: {  	[sflag:s29] =	ssyncadd.s32 $0xFFFFFFFF  }
0xc0: {  	_ =	strace $0x90000048  }
0xc1: {  	_ =	sfence  }
0xc2: {  	s30 =	sld [smem:$0x0];
	_ =	sdelay $0x2  }
0xc3: {  	s31 =	sshll.u32 s1, $0xD;
	s1 =	sshrl.u32 s1, $0x2  }
0xc4: {  	s3 =	sand.u32 $0x4000, s31;
	s1 =	sadd.s32 s1, s30  }
0xc5: {  	s0 =	sor.u32 s3, s0;
	s1 =	sshll.u32 s1, $0x11  }
0xc6: {  	s0 =	sor.u32 s1, s0  }
0xc7: {  	s0 =	sadd.s32 $0x8F2B, s0  }
0xc8: {  	[sflag:s0] =	ssyncadd.remote.s32 $0x1  }
0xc9: {  	_ =	sfence.sel $0xFFFF  }
0xca: {  	[dreg:$0x0] =	wrdreg $0xFFFFFFFF;
	(pc) =	sbr.abs _section_cstart, $3  }
0xcb: {  	[dreg:$0x1] =	wrdreg $0xFFFFFFFF  }
0xcc: {  	_ =	task.clear_ibuf [dreg:s11], $0x2FFFF;
	_ =	strace $0x9FFFFFFF  }
0xcd: {  	(tm) =	ssettm $0x7FFFFFFF  }
tec
execute0_lowered:
.L_overlay_start_1:
0x0: {  	(tag) =	ssettag $0x1  }
0x1: {  	s0 =	rddreg [dreg:$0x0]  }
0x2: {  	s2 =	rddreg [dreg:$0x1]  }
0x3: {  	s1 =	rddreg [dreg:$0x2]  }
0x4: {  	s3 =	srdreg.scid;
	s5 =	rddreg [dreg:$0x3]  }
0x5: {  	s9 =	stileid.u32;
	s7 =	rddreg [dreg:$0x4]  }
0x6: {  	s31 =	simm.s32 $0x100;
	s11 =	simm.s32 $0x11B00;
	s12 =	simm.s32 $0x12300  }
0x7: {  	s13 =	simm.s32 $0x13300;
	s14 =	simm.s32 $0x13B00;
	s15 =	simm.s32 $0x14300  }
0x8: {  	s30 =	simm.s32 $0x17B00;
	s4 =	sand.u32 $0x1, s3;
	s16 =	sshll.u32 s9, $0x1  }
0x9: {  	s9 =	sshll.u32 s9, $0x2;
	s3 =	simm.s32 $0x0;
	s6 =	sor.u32 s4, s16  }
0xa: {  	[smem:$0x7FF] =	sst s3;
	s23 =	ssub.s32 $0x2, s4;
	s16 =	simm.s32 $0x14B00  }
0xb: {  	s8 =	sshll.u32 s6, $0x7;
	_ =	strace $0x80000047;
	s18 =	sshll.u32 s6, $0x5  }
0xc: {  	s6 =	sshll.u32 s6, $0xF;
	s4 =	sshrl.u32 s23, $0x1;
	[dreg:$0x10] =	wrdreg s31  }
0xd: {  	s8 =	sor.u32 s9, s8;
	s19 =	sadd.s32 s7, s18;
	s20 =	sadd.s32 s5, s6  }
0xe: {  	s5 =	sadd.s32 $0x100, s1;
	s6 =	sadd.s32 $0x200, s1;
	[dreg:$0x8] =	wrdreg s19  }
0xf: {  	s7 =	sadd.s32 $0x300, s1;
	s21 =	sadd.s32 $0x1000, s20;
	[dreg:$0x11] =	wrdreg s20  }
0x10: {  	s18 =	simm.s32 $0x15B00;
	s22 =	sadd.s32 $0x2000, s20;
	[dreg:$0x9] =	wrdreg s21  }
0x11: {  	s8 =	sand.u32 $0x3B0, s8;
	s24 =	sadd.s32 $0x3000, s20;
	[dreg:$0xa] =	wrdreg s22  }
0x12: {  	s25 =	sadd.s32 $0x4000, s20;
	s26 =	sadd.s32 $0x5000, s20;
	[dreg:$0xb] =	wrdreg s24  }
0x13: {  	s28 =	sadd.s32 $0x6000, s20;
	s29 =	sadd.s32 $0x7000, s20;
	[dreg:$0xc] =	wrdreg s25  }
0x14: {  	s19 =	simm.s32 $0x16300;
	s20 =	simm.s32 $0x16B00;
	[dreg:$0xd] =	wrdreg s26  }
0x15: {  	s0 =	sadd.s32 s0, s8;
	s17 =	sadd.s32 s2, s8;
	[dreg:$0xe] =	wrdreg s28  }
0x16: {  	v2 =	vlaneseq.u32;
	s2 =	ssub.s32 s23, s4;
	[dreg:$0xf] =	wrdreg s29;
	s21 =	simm.s32 $0x17300  }
0x17: {  	vm0 =	vmmov $0xffff;
	v1 =	vshrl.u32 v2, $0x3;
	s23 =	simm.s32 $0x1;
	s24 =	simm.s32 $0x4;
	[dreg:$0x6] =	wrdreg s0  }
0x18: {  	v0 =	vand.u32 $0x7, v2;
	v2 =	vor.u32 $0x8, v2;
	v1 =	vmul.u32 $0x8, v1;
	[dreg:$0x7] =	wrdreg s17;
	s22 =	smax.u32 s2, $0x1;
	s17 =	simm.s32 $0x15300  }
.LBB2_1:
0x19: {  	s31 =	rddreg [dreg:$0x6]  }
0x1a: {  	s0 =	simm.s32 $0x80;
	s9 =	simm.s32 $0x200;
	s4 =	simm.s32 $0x8  }
0x1b: {  	[tilespmem:s3], [sflag:$0x8] =	stream.strided.gather [hbm4b:s31+s0], $0x100, s9, s0, $0x38;
	[tilespmem:$0x18300] =	vst v63  }
0x1c: {  	_ =	swait.ge [sflag:s4], $0x100  }
0x1d: {  	[sflag:s4] =	ssyncset.done $0x0  }
0x1e: {  	[sflag:s4] =	ssyncadd.s32 $0xFFFFFF00  }
0x1f: {  	v3 =	vld [tilespmem:$0x0];
	_ =	sdelay $0x4  }
0x20: {  	v4 =	vshll.u32 v3, $0x3  }
0x21: {  	v3 =	vand.u32 $0x7, v3;
	v4 =	vand.u32 $0xFFFFFFC0, v4  }
0x22: {  	v3 =	vor.u32 v3, v4  }
0x23: {  	v4 =	vperm.xlane v3, v0;
	_ =	sdelay $0x1  }
0x24: {  	v4 =	vadd.s32 v1, v4;
	_ =	sdelay $0x3  }
0x25: {  	s2 =	simm.s32 $0x300  }
0x26: {  	[tilespmem:s2], [sflag:$0x1] =	stream.indirect_vreg.gather [hbm4b:s1+s3], $0x80, v4, vm0, $0xb8;
	[tilespmem:$0x18300] =	vst v63  }
0x27: {  	s26 =	simm.s32 $0xB00;
	v3 =	vperm.xlane v3, v2  }
0x28: {  	[tilespmem:s26], [sflag:$0x1] =	stream.indirect_vreg.gather [hbm4b:s5+s3], $0x80, v4, vm0, $0xb8;
	[tilespmem:$0x18300] =	vst v63  }
0x29: {  	s28 =	simm.s32 $0x1300;
	v3 =	vadd.s32 v1, v3  }
0x2a: {  	[tilespmem:s28], [sflag:$0x1] =	stream.indirect_vreg.gather [hbm4b:s6+s3], $0x80, v4, vm0, $0xb8;
	[tilespmem:$0x18300] =	vst v63  }
0x2b: {  	s29 =	simm.s32 $0x1B00  }
0x2c: {  	[tilespmem:s29], [sflag:$0x1] =	stream.indirect_vreg.gather [hbm4b:s7+s3], $0x80, v4, vm0, $0xb8;
	[tilespmem:$0x18300] =	vst v63  }
0x2d: {  	s31 =	simm.s32 $0x2300  }
0x2e: {  	[tilespmem:s31], [sflag:$0x1] =	stream.indirect_vreg.gather [hbm4b:s1+s3], $0x80, v3, vm0, $0xb8;
	[tilespmem:$0x18300] =	vst v63  }
0x2f: {  	s8 =	simm.s32 $0x2B00  }
0x30: {  	[tilespmem:s8], [sflag:$0x1] =	stream.indirect_vreg.gather [hbm4b:s5+s3], $0x80, v3, vm0, $0xb8;
	[tilespmem:$0x18300] =	vst v63  }
0x31: {  	s10 =	simm.s32 $0x3300  }
0x32: {  	[tilespmem:s10], [sflag:$0x1] =	stream.indirect_vreg.gather [hbm4b:s6+s3], $0x80, v3, vm0, $0xb8;
	[tilespmem:$0x18300] =	vst v63  }
0x33: {  	s28 =	simm.s32 $0x3B00  }
0x34: {  	[tilespmem:s28], [sflag:$0x1] =	stream.indirect_vreg.gather [hbm4b:s7+s3], $0x80, v3, vm0, $0xb8;
	[tilespmem:$0x18300] =	vst v63  }
0x35: {  	v3 =	vld [tilespmem:$0x10];
	_ =	sdelay $0x4  }
0x36: {  	v14 =	vshll.u32 v3, $0x3  }
0x37: {  	v3 =	vand.u32 $0x7, v3;
	v4 =	vand.u32 $0xFFFFFFC0, v14  }
0x38: {  	v3 =	vor.u32 v3, v4  }
0x39: {  	v4 =	vperm.xlane v3, v0;
	_ =	sdelay $0x1  }
0x3a: {  	v4 =	vadd.s32 v1, v4;
	_ =	sdelay $0x3  }
0x3b: {  	s31 =	simm.s32 $0x4300  }
0x3c: {  	[tilespmem:s31], [sflag:$0x1] =	stream.indirect_vreg.gather [hbm4b:s1+s3], $0x80, v4, vm0, $0xb8;
	[tilespmem:$0x18300] =	vst v63  }
0x3d: {  	s8 =	simm.s32 $0x4B00;
	v3 =	vperm.xlane v3, v2  }
0x3e: {  	[tilespmem:s8], [sflag:$0x1] =	stream.indirect_vreg.gather [hbm4b:s5+s3], $0x80, v4, vm0, $0xb8;
	[tilespmem:$0x18300] =	vst v63  }
0x3f: {  	s10 =	simm.s32 $0x5300;
	v3 =	vadd.s32 v1, v3  }
0x40: {  	[tilespmem:s10], [sflag:$0x1] =	stream.indirect_vreg.gather [hbm4b:s6+s3], $0x80, v4, vm0, $0xb8;
	[tilespmem:$0x18300] =	vst v63  }
0x41: {  	s28 =	simm.s32 $0x5B00  }
0x42: {  	[tilespmem:s28], [sflag:$0x1] =	stream.indirect_vreg.gather [hbm4b:s7+s3], $0x80, v4, vm0, $0xb8;
	[tilespmem:$0x18300] =	vst v63  }
0x43: {  	s31 =	simm.s32 $0x6300  }
0x44: {  	[tilespmem:s31], [sflag:$0x1] =	stream.indirect_vreg.gather [hbm4b:s1+s3], $0x80, v3, vm0, $0xb8;
	[tilespmem:$0x18300] =	vst v63  }
0x45: {  	s8 =	simm.s32 $0x6B00  }
0x46: {  	[tilespmem:s8], [sflag:$0x1] =	stream.indirect_vreg.gather [hbm4b:s5+s3], $0x80, v3, vm0, $0xb8;
	[tilespmem:$0x18300] =	vst v63  }
0x47: {  	s10 =	simm.s32 $0x7300  }
0x48: {  	[tilespmem:s10], [sflag:$0x1] =	stream.indirect_vreg.gather [hbm4b:s6+s3], $0x80, v3, vm0, $0xb8;
	[tilespmem:$0x18300] =	vst v63  }
0x49: {  	s28 =	simm.s32 $0x7B00  }
0x4a: {  	[tilespmem:s28], [sflag:$0x1] =	stream.indirect_vreg.gather [hbm4b:s7+s3], $0x80, v3, vm0, $0xb8;
	[tilespmem:$0x18300] =	vst v63  }
0x4b: {  	v3 =	vld [tilespmem:$0x20];
	_ =	sdelay $0x4  }
0x4c: {  	v15 =	vshll.u32 v3, $0x3  }
0x4d: {  	v3 =	vand.u32 $0x7, v3;
	v4 =	vand.u32 $0xFFFFFFC0, v15  }
0x4e: {  	v3 =	vor.u32 v3, v4  }
0x4f: {  	v4 =	vperm.xlane v3, v0;
	_ =	sdelay $0x1  }
0x50: {  	v4 =	vadd.s32 v1, v4;
	_ =	sdelay $0x3  }
0x51: {  	s31 =	simm.s32 $0x8300  }
0x52: {  	[tilespmem:s31], [sflag:$0x2] =	stream.indirect_vreg.gather [hbm4b:s1+s3], $0x80, v4, vm0, $0xb8;
	[tilespmem:$0x18300] =	vst v63  }
0x53: {  	s8 =	simm.s32 $0x8B00;
	v3 =	vperm.xlane v3, v2  }
0x54: {  	[tilespmem:s8], [sflag:$0x2] =	stream.indirect_vreg.gather [hbm4b:s5+s3], $0x80, v4, vm0, $0xb8;
	[tilespmem:$0x18300] =	vst v63  }
0x55: {  	s10 =	simm.s32 $0x9300;
	v3 =	vadd.s32 v1, v3  }
0x56: {  	[tilespmem:s10], [sflag:$0x2] =	stream.indirect_vreg.gather [hbm4b:s6+s3], $0x80, v4, vm0, $0xb8;
	[tilespmem:$0x18300] =	vst v63  }
0x57: {  	s28 =	simm.s32 $0x9B00  }
0x58: {  	[tilespmem:s28], [sflag:$0x2] =	stream.indirect_vreg.gather [hbm4b:s7+s3], $0x80, v4, vm0, $0xb8;
	[tilespmem:$0x18300] =	vst v63  }
0x59: {  	s31 =	simm.s32 $0xA300  }
0x5a: {  	[tilespmem:s31], [sflag:$0x2] =	stream.indirect_vreg.gather [hbm4b:s1+s3], $0x80, v3, vm0, $0xb8;
	[tilespmem:$0x18300] =	vst v63  }
0x5b: {  	s10 =	simm.s32 $0xAB00  }
0x5c: {  	[tilespmem:s10], [sflag:$0x2] =	stream.indirect_vreg.gather [hbm4b:s5+s3], $0x80, v3, vm0, $0xb8;
	[tilespmem:$0x18300] =	vst v63  }
0x5d: {  	s31 =	simm.s32 $0xB300  }
0x5e: {  	[tilespmem:s31], [sflag:$0x2] =	stream.indirect_vreg.gather [hbm4b:s6+s3], $0x80, v3, vm0, $0xb8;
	[tilespmem:$0x18300] =	vst v63  }
0x5f: {  	s10 =	simm.s32 $0xBB00  }
0x60: {  	[tilespmem:s10], [sflag:$0x2] =	stream.indirect_vreg.gather [hbm4b:s7+s3], $0x80, v3, vm0, $0xb8;
	[tilespmem:$0x18300] =	vst v63  }
0x61: {  	v3 =	vld [tilespmem:$0x30];
	_ =	sdelay $0x4  }
0x62: {  	v16 =	vshll.u32 v3, $0x3  }
0x63: {  	v3 =	vand.u32 $0x7, v3;
	v4 =	vand.u32 $0xFFFFFFC0, v16  }
0x64: {  	v3 =	vor.u32 v3, v4  }
0x65: {  	v4 =	vperm.xlane v3, v0;
	_ =	sdelay $0x1  }
0x66: {  	v4 =	vadd.s32 v1, v4;
	_ =	sdelay $0x3  }
0x67: {  	s31 =	simm.s32 $0xC300  }
0x68: {  	[tilespmem:s31], [sflag:$0x2] =	stream.indirect_vreg.gather [hbm4b:s1+s3], $0x80, v4, vm0, $0xb8;
	[tilespmem:$0x18300] =	vst v63  }
0x69: {  	s10 =	simm.s32 $0xCB00;
	v3 =	vperm.xlane v3, v2  }
0x6a: {  	[tilespmem:s10], [sflag:$0x2] =	stream.indirect_vreg.gather [hbm4b:s5+s3], $0x80, v4, vm0, $0xb8;
	[tilespmem:$0x18300] =	vst v63  }
0x6b: {  	v3 =	vadd.s32 v1, v3;
	s31 =	simm.s32 $0xD300  }
0x6c: {  	[tilespmem:s31], [sflag:$0x2] =	stream.indirect_vreg.gather [hbm4b:s6+s3], $0x80, v4, vm0, $0xb8;
	[tilespmem:$0x18300] =	vst v63  }
0x6d: {  	s10 =	simm.s32 $0xDB00  }
0x6e: {  	[tilespmem:s10], [sflag:$0x2] =	stream.indirect_vreg.gather [hbm4b:s7+s3], $0x80, v4, vm0, $0xb8;
	[tilespmem:$0x18300] =	vst v63  }
0x6f: {  	s31 =	simm.s32 $0xE300  }
0x70: {  	[tilespmem:s31], [sflag:$0x2] =	stream.indirect_vreg.gather [hbm4b:s1+s3], $0x80, v3, vm0, $0xb8;
	[tilespmem:$0x18300] =	vst v63  }
0x71: {  	s10 =	simm.s32 $0xEB00  }
0x72: {  	[tilespmem:s10], [sflag:$0x2] =	stream.indirect_vreg.gather [hbm4b:s5+s3], $0x80, v3, vm0, $0xb8;
	[tilespmem:$0x18300] =	vst v63  }
0x73: {  	s31 =	simm.s32 $0xF300  }
0x74: {  	[tilespmem:s31], [sflag:$0x2] =	stream.indirect_vreg.gather [hbm4b:s6+s3], $0x80, v3, vm0, $0xb8;
	[tilespmem:$0x18300] =	vst v63  }
0x75: {  	s2 =	rddreg [dreg:$0x10];
	s10 =	simm.s32 $0xFB00  }
0x76: {  	[tilespmem:s10], [sflag:$0x2] =	stream.indirect_vreg.gather [hbm4b:s7+s3], $0x80, v3, vm0, $0xb8;
	[tilespmem:$0x18300] =	vst v63  }
0x77: {  	s31 =	rddreg [dreg:$0x7]  }
0x78: {  	[tilespmem:s2], [sflag:$0x8] =	stream.strided.gather [hbm4b:s31+s0], $0x100, s9, s0, $0x38;
	[tilespmem:$0x18300] =	vst v63  }
0x79: {  	_ =	swait.ge [sflag:s4], $0x100  }
0x7a: {  	[sflag:s4] =	ssyncset.done $0x0  }
0x7b: {  	[sflag:s4] =	ssyncadd.s32 $0xFFFFFF00  }
0x7c: {  	v3 =	vld [tilespmem:$0x100]  }
0x7d: {  	v17 =	vld [tilespmem:$0x110]  }
0x7e: {  	v6 =	vld [tilespmem:$0x130]  }
0x7f: {  	v5 =	vld [tilespmem:$0x120]  }
0x80: {  	v8 =	vld [tilespmem:$0x150]  }
0x81: {  	v7 =	vld [tilespmem:$0x140];
	v3 =	vcvt.s32.f32 v3  }
0x82: {  	v10 =	vld [tilespmem:$0x170];
	v4 =	vcvt.s32.f32 v17  }
0x83: {  	v9 =	vld [tilespmem:$0x160];
	v6 =	vcvt.s32.f32 v6;
	v3 =	vsub.f32 $1.000000000e+00, v3  }
0x84: {  	v12 =	vld [tilespmem:$0x190];
	v5 =	vcvt.s32.f32 v5;
	v4 =	vsub.f32 $1.000000000e+00, v4  }
0x85: {  	v11 =	vld [tilespmem:$0x180];
	v8 =	vcvt.s32.f32 v8;
	v6 =	vsub.f32 $1.000000000e+00, v6;
	v3 =	vmul.f32 $-3.402823470e+38, v3  }
0x86: {  	v20 =	vld [tilespmem:$0x1B0];
	v7 =	vcvt.s32.f32 v7;
	v5 =	vsub.f32 $1.000000000e+00, v5;
	v4 =	vmul.f32 $-3.402823470e+38, v4  }
0x87: {  	v13 =	vld [tilespmem:$0x1A0];
	v23 =	vcvt.s32.f32 v10;
	v22 =	vsub.f32 $1.000000000e+00, v8;
	v21 =	vmul.f32 $-3.402823470e+38, v6;
	[tilespmem:$0x200] =	vst v3  }
0x88: {  	v27 =	vld [tilespmem:$0x1D0];
	v19 =	vcvt.s32.f32 v9;
	v18 =	vsub.f32 $1.000000000e+00, v7;
	v3 =	vmul.f32 $-3.402823470e+38, v5;
	[tilespmem:$0x210] =	vst v4  }
0x89: {  	v24 =	vld [tilespmem:$0x1C0];
	v30 =	vcvt.s32.f32 v12;
	v29 =	vsub.f32 $1.000000000e+00, v23;
	v28 =	vmul.f32 $-3.402823470e+38, v22;
	[tilespmem:$0x230] =	vst v21  }
0x8a: {  	v34 =	vld [tilespmem:$0x1F0];
	v26 =	vcvt.s32.f32 v11;
	v25 =	vsub.f32 $1.000000000e+00, v19;
	[tilespmem:$0x220] =	vst v3;
	v3 =	vmul.f32 $-3.402823470e+38, v18  }
0x8b: {  	v31 =	vld [tilespmem:$0x1E0];
	v37 =	vcvt.s32.f32 v20;
	v36 =	vsub.f32 $1.000000000e+00, v30;
	v35 =	vmul.f32 $-3.402823470e+38, v29;
	[tilespmem:$0x250] =	vst v28  }
0x8c: {  	v33 =	vcvt.s32.f32 v13;
	v32 =	vsub.f32 $1.000000000e+00, v26;
	[tilespmem:$0x240] =	vst v3;
	v3 =	vmul.f32 $-3.402823470e+38, v25  }
0x8d: {  	v42 =	vcvt.s32.f32 v27;
	v41 =	vsub.f32 $1.000000000e+00, v37;
	v40 =	vmul.f32 $-3.402823470e+38, v36;
	[tilespmem:$0x270] =	vst v35  }
0x8e: {  	v39 =	vcvt.s32.f32 v24;
	v38 =	vsub.f32 $1.000000000e+00, v33;
	[tilespmem:$0x260] =	vst v3;
	v3 =	vmul.f32 $-3.402823470e+38, v32  }
0x8f: {  	v47 =	vcvt.s32.f32 v34;
	v46 =	vsub.f32 $1.000000000e+00, v42;
	v45 =	vmul.f32 $-3.402823470e+38, v41;
	[tilespmem:$0x290] =	vst v40  }
0x90: {  	v44 =	vcvt.s32.f32 v31;
	v43 =	vsub.f32 $1.000000000e+00, v39;
	[tilespmem:$0x280] =	vst v3;
	v3 =	vmul.f32 $-3.402823470e+38, v38  }
0x91: {  	v50 =	vsub.f32 $1.000000000e+00, v47;
	v49 =	vmul.f32 $-3.402823470e+38, v46;
	[tilespmem:$0x2B0] =	vst v45  }
0x92: {  	v48 =	vsub.f32 $1.000000000e+00, v44;
	[tilespmem:$0x2A0] =	vst v3;
	v3 =	vmul.f32 $-3.402823470e+38, v43  }
0x93: {  	v51 =	vmul.f32 $-3.402823470e+38, v50;
	[tilespmem:$0x2D0] =	vst v49  }
0x94: {  	[tilespmem:$0x2C0] =	vst v3;
	v3 =	vmul.f32 $-3.402823470e+38, v48  }
0x95: {  	[tilespmem:$0x2F0] =	vst v51  }
0x96: {  	s10 =	rddreg [dreg:$0x8];
	[tilespmem:$0x2E0] =	vst v3  }
0x97: {  	[hbm4b:s10+s3] =	stream.linear.scatter [tilespmem:s9], [sflag:$0x7], $0x100, $0x38;
	[tilespmem:$0x18300] =	vst v63  }
0x98: {  	v3 =	vld [tilespmem:$0x40];
	_ =	sdelay $0x4  }
0x99: {  	v52 =	vshll.u32 v3, $0x3  }
0x9a: {  	v3 =	vand.u32 $0x7, v3;
	v4 =	vand.u32 $0xFFFFFFC0, v52  }
0x9b: {  	v3 =	vor.u32 v3, v4  }
0x9c: {  	v4 =	vperm.xlane v3, v0;
	_ =	sdelay $0x1  }
0x9d: {  	v4 =	vadd.s32 v1, v4;
	_ =	sdelay $0x3  }
0x9e: {  	s31 =	simm.s32 $0x10300  }
0x9f: {  	[tilespmem:s31], [sflag:$0x3] =	stream.indirect_vreg.gather [hbm4b:s1+s3], $0x80, v4, vm0, $0xb8;
	[tilespmem:$0x18300] =	vst v63  }
0xa0: {  	s9 =	simm.s32 $0x10B00;
	v3 =	vperm.xlane v3, v2  }
0xa1: {  	[tilespmem:s9], [sflag:$0x3] =	stream.indirect_vreg.gather [hbm4b:s5+s3], $0x80, v4, vm0, $0xb8;
	[tilespmem:$0x18300] =	vst v63  }
0xa2: {  	v3 =	vadd.s32 v1, v3;
	s31 =	simm.s32 $0x11300  }
0xa3: {  	[tilespmem:s31], [sflag:$0x3] =	stream.indirect_vreg.gather [hbm4b:s6+s3], $0x80, v4, vm0, $0xb8;
	[tilespmem:$0x18300] =	vst v63  }
0xa4: {  	_ = 	snop  }
0xa5: {  	[tilespmem:s11], [sflag:$0x3] =	stream.indirect_vreg.gather [hbm4b:s7+s3], $0x80, v4, vm0, $0xb8;
	[tilespmem:$0x18300] =	vst v63  }
0xa6: {  	_ = 	snop  }
0xa7: {  	[tilespmem:s12], [sflag:$0x3] =	stream.indirect_vreg.gather [hbm4b:s1+s3], $0x80, v3, vm0, $0xb8;
	[tilespmem:$0x18300] =	vst v63  }
0xa8: {  	s10 =	simm.s32 $0x12B00  }
0xa9: {  	[tilespmem:s10], [sflag:$0x3] =	stream.indirect_vreg.gather [hbm4b:s5+s3], $0x80, v3, vm0, $0xb8;
	[tilespmem:$0x18300] =	vst v63  }
0xaa: {  	_ = 	snop  }
0xab: {  	[tilespmem:s13], [sflag:$0x3] =	stream.indirect_vreg.gather [hbm4b:s6+s3], $0x80, v3, vm0, $0xb8;
	[tilespmem:$0x18300] =	vst v63  }
0xac: {  	_ = 	snop  }
0xad: {  	[tilespmem:s14], [sflag:$0x3] =	stream.indirect_vreg.gather [hbm4b:s7+s3], $0x80, v3, vm0, $0xb8;
	[tilespmem:$0x18300] =	vst v63  }
0xae: {  	v3 =	vld [tilespmem:$0x50];
	_ =	sdelay $0x4  }
0xaf: {  	v53 =	vshll.u32 v3, $0x3  }
0xb0: {  	v3 =	vand.u32 $0x7, v3;
	v4 =	vand.u32 $0xFFFFFFC0, v53  }
0xb1: {  	v3 =	vor.u32 v3, v4  }
0xb2: {  	v4 =	vperm.xlane v3, v0;
	_ =	sdelay $0x1  }
0xb3: {  	v4 =	vadd.s32 v1, v4;
	_ =	sdelay $0x4  }
0xb4: {  	[tilespmem:s15], [sflag:$0x3] =	stream.indirect_vreg.gather [hbm4b:s1+s3], $0x80, v4, vm0, $0xb8;
	[tilespmem:$0x18300] =	vst v63  }
0xb5: {  	v3 =	vperm.xlane v3, v2  }
0xb6: {  	[tilespmem:s16], [sflag:$0x3] =	stream.indirect_vreg.gather [hbm4b:s5+s3], $0x80, v4, vm0, $0xb8;
	[tilespmem:$0x18300] =	vst v63  }
0xb7: {  	v3 =	vadd.s32 v1, v3  }
0xb8: {  	[tilespmem:s17], [sflag:$0x3] =	stream.indirect_vreg.gather [hbm4b:s6+s3], $0x80, v4, vm0, $0xb8;
	[tilespmem:$0x18300] =	vst v63  }
0xb9: {  	_ = 	snop  }
0xba: {  	[tilespmem:s18], [sflag:$0x3] =	stream.indirect_vreg.gather [hbm4b:s7+s3], $0x80, v4, vm0, $0xb8;
	[tilespmem:$0x18300] =	vst v63  }
0xbb: {  	_ = 	snop  }
0xbc: {  	[tilespmem:s19], [sflag:$0x3] =	stream.indirect_vreg.gather [hbm4b:s1+s3], $0x80, v3, vm0, $0xb8;
	[tilespmem:$0x18300] =	vst v63  }
0xbd: {  	_ = 	snop  }
0xbe: {  	[tilespmem:s20], [sflag:$0x3] =	stream.indirect_vreg.gather [hbm4b:s5+s3], $0x80, v3, vm0, $0xb8;
	[tilespmem:$0x18300] =	vst v63  }
0xbf: {  	_ = 	snop  }
0xc0: {  	[tilespmem:s21], [sflag:$0x3] =	stream.indirect_vreg.gather [hbm4b:s6+s3], $0x80, v3, vm0, $0xb8;
	[tilespmem:$0x18300] =	vst v63  }
0xc1: {  	_ = 	snop  }
0xc2: {  	[tilespmem:s30], [sflag:$0x3] =	stream.indirect_vreg.gather [hbm4b:s7+s3], $0x80, v3, vm0, $0xb8;
	[tilespmem:$0x18300] =	vst v63  }
0xc3: {  	_ =	swait.ge [sflag:s23], $0x8000  }
0xc4: {  	[sflag:s23] =	ssyncset.done $0x0  }
0xc5: {  	s4 =	simm.s32 $0x300;
	s0 =	rddreg [dreg:$0x11];
	[sflag:s23] =	ssyncadd.s32 $0xFFFF8000  }
0xc6: {  	[hbm4b:s0+s3] =	stream.linear.scatter [tilespmem:s4], [sflag:$0x4], $0x8000, $0x38;
	[tilespmem:$0x18300] =	vst v63  }
0xc7: {  	_ =	swait.ge [sflag:s24], $0x8000  }
0xc8: {  	[sflag:s24] =	ssyncset.done $0x0  }
0xc9: {  	[sflag:s24] =	ssyncadd.s32 $0xFFFF8000  }
0xca: {  	v3 =	vld [tilespmem:$0x60];
	_ =	sdelay $0x4  }
0xcb: {  	v54 =	vshll.u32 v3, $0x3  }
0xcc: {  	v3 =	vand.u32 $0x7, v3;
	v4 =	vand.u32 $0xFFFFFFC0, v54  }
0xcd: {  	v3 =	vor.u32 v3, v4  }
0xce: {  	v4 =	vperm.xlane v3, v0;
	_ =	sdelay $0x1  }
0xcf: {  	v4 =	vadd.s32 v1, v4;
	_ =	sdelay $0x4  }
0xd0: {  	[tilespmem:s4], [sflag:$0x1] =	stream.indirect_vreg.gather [hbm4b:s1+s3], $0x80, v4, vm0, $0xb8;
	[tilespmem:$0x18300] =	vst v63  }
0xd1: {  	v3 =	vperm.xlane v3, v2;
	s4 =	simm.s32 $0xB00  }
0xd2: {  	[tilespmem:s4], [sflag:$0x1] =	stream.indirect_vreg.gather [hbm4b:s5+s3], $0x80, v4, vm0, $0xb8;
	[tilespmem:$0x18300] =	vst v63  }
0xd3: {  	s25 =	simm.s32 $0x1300;
	v3 =	vadd.s32 v1, v3  }
0xd4: {  	[tilespmem:s25], [sflag:$0x1] =	stream.indirect_vreg.gather [hbm4b:s6+s3], $0x80, v4, vm0, $0xb8;
	[tilespmem:$0x18300] =	vst v63  }
0xd5: {  	s26 =	simm.s32 $0x1B00  }
0xd6: {  	[tilespmem:s26], [sflag:$0x1] =	stream.indirect_vreg.gather [hbm4b:s7+s3], $0x80, v4, vm0, $0xb8;
	[tilespmem:$0x18300] =	vst v63  }
0xd7: {  	s29 =	simm.s32 $0x2300  }
0xd8: {  	[tilespmem:s29], [sflag:$0x1] =	stream.indirect_vreg.gather [hbm4b:s1+s3], $0x80, v3, vm0, $0xb8;
	[tilespmem:$0x18300] =	vst v63  }
0xd9: {  	s26 =	simm.s32 $0x2B00  }
0xda: {  	[tilespmem:s26], [sflag:$0x1] =	stream.indirect_vreg.gather [hbm4b:s5+s3], $0x80, v3, vm0, $0xb8;
	[tilespmem:$0x18300] =	vst v63  }
0xdb: {  	s29 =	simm.s32 $0x3300  }
0xdc: {  	[tilespmem:s29], [sflag:$0x1] =	stream.indirect_vreg.gather [hbm4b:s6+s3], $0x80, v3, vm0, $0xb8;
	[tilespmem:$0x18300] =	vst v63  }
0xdd: {  	s2 =	simm.s32 $0x3B00  }
0xde: {  	[tilespmem:s2], [sflag:$0x1] =	stream.indirect_vreg.gather [hbm4b:s7+s3], $0x80, v3, vm0, $0xb8;
	[tilespmem:$0x18300] =	vst v63  }
0xdf: {  	v3 =	vld [tilespmem:$0x70];
	_ =	sdelay $0x4  }
0xe0: {  	v55 =	vshll.u32 v3, $0x3  }
0xe1: {  	v3 =	vand.u32 $0x7, v3;
	v4 =	vand.u32 $0xFFFFFFC0, v55  }
0xe2: {  	v3 =	vor.u32 v3, v4  }
0xe3: {  	v4 =	vperm.xlane v3, v0;
	_ =	sdelay $0x1  }
0xe4: {  	v4 =	vadd.s32 v1, v4;
	_ =	sdelay $0x3  }
0xe5: {  	s4 =	simm.s32 $0x4300  }
0xe6: {  	[tilespmem:s4], [sflag:$0x1] =	stream.indirect_vreg.gather [hbm4b:s1+s3], $0x80, v4, vm0, $0xb8;
	[tilespmem:$0x18300] =	vst v63  }
0xe7: {  	s25 =	simm.s32 $0x4B00;
	v3 =	vperm.xlane v3, v2  }
0xe8: {  	[tilespmem:s25], [sflag:$0x1] =	stream.indirect_vreg.gather [hbm4b:s5+s3], $0x80, v4, vm0, $0xb8;
	[tilespmem:$0x18300] =	vst v63  }
0xe9: {  	s29 =	simm.s32 $0x5300;
	v3 =	vadd.s32 v1, v3  }
0xea: {  	[tilespmem:s29], [sflag:$0x1] =	stream.indirect_vreg.gather [hbm4b:s6+s3], $0x80, v4, vm0, $0xb8;
	[tilespmem:$0x18300] =	vst v63  }
0xeb: {  	s2 =	simm.s32 $0x5B00  }
0xec: {  	[tilespmem:s2], [sflag:$0x1] =	stream.indirect_vreg.gather [hbm4b:s7+s3], $0x80, v4, vm0, $0xb8;
	[tilespmem:$0x18300] =	vst v63  }
0xed: {  	s4 =	simm.s32 $0x6300  }
0xee: {  	[tilespmem:s4], [sflag:$0x1] =	stream.indirect_vreg.gather [hbm4b:s1+s3], $0x80, v3, vm0, $0xb8;
	[tilespmem:$0x18300] =	vst v63  }
0xef: {  	s25 =	simm.s32 $0x6B00  }
0xf0: {  	[tilespmem:s25], [sflag:$0x1] =	stream.indirect_vreg.gather [hbm4b:s5+s3], $0x80, v3, vm0, $0xb8;
	[tilespmem:$0x18300] =	vst v63  }
0xf1: {  	s29 =	simm.s32 $0x7300  }
0xf2: {  	[tilespmem:s29], [sflag:$0x1] =	stream.indirect_vreg.gather [hbm4b:s6+s3], $0x80, v3, vm0, $0xb8;
	[tilespmem:$0x18300] =	vst v63  }
0xf3: {  	s2 =	simm.s32 $0x7B00;
	s25 =	simm.s32 $0x2  }
0xf4: {  	[tilespmem:s2], [sflag:$0x1] =	stream.indirect_vreg.gather [hbm4b:s7+s3], $0x80, v3, vm0, $0xb8;
	[tilespmem:$0x18300] =	vst v63  }
0xf5: {  	_ =	swait.ge [sflag:s25], $0x8000  }
0xf6: {  	[sflag:s25] =	ssyncset.done $0x0  }
0xf7: {  	s29 =	simm.s32 $0x8300;
	s4 =	rddreg [dreg:$0x9];
	[sflag:s25] =	ssyncadd.s32 $0xFFFF8000  }
0xf8: {  	[hbm4b:s4+s3] =	stream.linear.scatter [tilespmem:s29], [sflag:$0x5], $0x8000, $0x38;
	[tilespmem:$0x18300] =	vst v63  }
0xf9: {  	s4 =	simm.s32 $0x5  }
0xfa: {  	_ =	swait.ge [sflag:s4], $0x8000  }
0xfb: {  	[sflag:s4] =	ssyncset.done $0x0  }
0xfc: {  	[sflag:s4] =	ssyncadd.s32 $0xFFFF8000  }
0xfd: {  	v3 =	vld [tilespmem:$0x80];
	_ =	sdelay $0x4  }
0xfe: {  	v56 =	vshll.u32 v3, $0x3  }
0xff: {  	v3 =	vand.u32 $0x7, v3;
	v4 =	vand.u32 $0xFFFFFFC0, v56  }
0x100: {  	v3 =	vor.u32 v3, v4  }
0x101: {  	v4 =	vperm.xlane v3, v0;
	_ =	sdelay $0x1  }
0x102: {  	v4 =	vadd.s32 v1, v4;
	_ =	sdelay $0x4  }
0x103: {  	[tilespmem:s29], [sflag:$0x2] =	stream.indirect_vreg.gather [hbm4b:s1+s3], $0x80, v4, vm0, $0xb8;
	[tilespmem:$0x18300] =	vst v63  }
0x104: {  	s8 =	simm.s32 $0x8B00;
	v3 =	vperm.xlane v3, v2  }
0x105: {  	[tilespmem:s8], [sflag:$0x2] =	stream.indirect_vreg.gather [hbm4b:s5+s3], $0x80, v4, vm0, $0xb8;
	[tilespmem:$0x18300] =	vst v63  }
0x106: {  	v3 =	vadd.s32 v1, v3;
	s8 =	simm.s32 $0x9300  }
0x107: {  	[tilespmem:s8], [sflag:$0x2] =	stream.indirect_vreg.gather [hbm4b:s6+s3], $0x80, v4, vm0, $0xb8;
	[tilespmem:$0x18300] =	vst v63  }
0x108: {  	s28 =	simm.s32 $0x9B00  }
0x109: {  	[tilespmem:s28], [sflag:$0x2] =	stream.indirect_vreg.gather [hbm4b:s7+s3], $0x80, v4, vm0, $0xb8;
	[tilespmem:$0x18300] =	vst v63  }
0x10a: {  	s2 =	simm.s32 $0xA300  }
0x10b: {  	[tilespmem:s2], [sflag:$0x2] =	stream.indirect_vreg.gather [hbm4b:s1+s3], $0x80, v3, vm0, $0xb8;
	[tilespmem:$0x18300] =	vst v63  }
0x10c: {  	s8 =	simm.s32 $0xAB00  }
0x10d: {  	[tilespmem:s8], [sflag:$0x2] =	stream.indirect_vreg.gather [hbm4b:s5+s3], $0x80, v3, vm0, $0xb8;
	[tilespmem:$0x18300] =	vst v63  }
0x10e: {  	s28 =	simm.s32 $0xB300  }
0x10f: {  	[tilespmem:s28], [sflag:$0x2] =	stream.indirect_vreg.gather [hbm4b:s6+s3], $0x80, v3, vm0, $0xb8;
	[tilespmem:$0x18300] =	vst v63  }
0x110: {  	s2 =	simm.s32 $0xBB00  }
0x111: {  	[tilespmem:s2], [sflag:$0x2] =	stream.indirect_vreg.gather [hbm4b:s7+s3], $0x80, v3, vm0, $0xb8;
	[tilespmem:$0x18300] =	vst v63  }
0x112: {  	v3 =	vld [tilespmem:$0x90];
	_ =	sdelay $0x4  }
0x113: {  	v57 =	vshll.u32 v3, $0x3  }
0x114: {  	v3 =	vand.u32 $0x7, v3;
	v4 =	vand.u32 $0xFFFFFFC0, v57  }
0x115: {  	v3 =	vor.u32 v3, v4  }
0x116: {  	v4 =	vperm.xlane v3, v0;
	_ =	sdelay $0x1  }
0x117: {  	v4 =	vadd.s32 v1, v4;
	_ =	sdelay $0x3  }
0x118: {  	s8 =	simm.s32 $0xC300  }
0x119: {  	[tilespmem:s8], [sflag:$0x2] =	stream.indirect_vreg.gather [hbm4b:s1+s3], $0x80, v4, vm0, $0xb8;
	[tilespmem:$0x18300] =	vst v63  }
0x11a: {  	s28 =	simm.s32 $0xCB00;
	v3 =	vperm.xlane v3, v2  }
0x11b: {  	[tilespmem:s28], [sflag:$0x2] =	stream.indirect_vreg.gather [hbm4b:s5+s3], $0x80, v4, vm0, $0xb8;
	[tilespmem:$0x18300] =	vst v63  }
0x11c: {  	s2 =	simm.s32 $0xD300;
	v3 =	vadd.s32 v1, v3  }
0x11d: {  	[tilespmem:s2], [sflag:$0x2] =	stream.indirect_vreg.gather [hbm4b:s6+s3], $0x80, v4, vm0, $0xb8;
	[tilespmem:$0x18300] =	vst v63  }
0x11e: {  	s8 =	simm.s32 $0xDB00  }
0x11f: {  	[tilespmem:s8], [sflag:$0x2] =	stream.indirect_vreg.gather [hbm4b:s7+s3], $0x80, v4, vm0, $0xb8;
	[tilespmem:$0x18300] =	vst v63  }
0x120: {  	s28 =	simm.s32 $0xE300  }
0x121: {  	[tilespmem:s28], [sflag:$0x2] =	stream.indirect_vreg.gather [hbm4b:s1+s3], $0x80, v3, vm0, $0xb8;
	[tilespmem:$0x18300] =	vst v63  }
0x122: {  	s2 =	simm.s32 $0xEB00  }
0x123: {  	[tilespmem:s2], [sflag:$0x2] =	stream.indirect_vreg.gather [hbm4b:s5+s3], $0x80, v3, vm0, $0xb8;
	[tilespmem:$0x18300] =	vst v63  }
0x124: {  	s8 =	simm.s32 $0xF300  }
0x125: {  	[tilespmem:s8], [sflag:$0x2] =	stream.indirect_vreg.gather [hbm4b:s6+s3], $0x80, v3, vm0, $0xb8;
	[tilespmem:$0x18300] =	vst v63  }
0x126: {  	s28 =	simm.s32 $0xFB00  }
0x127: {  	[tilespmem:s28], [sflag:$0x2] =	stream.indirect_vreg.gather [hbm4b:s7+s3], $0x80, v3, vm0, $0xb8;
	[tilespmem:$0x18300] =	vst v63  }
0x128: {  	s28 =	simm.s32 $0x3  }
0x129: {  	_ =	swait.ge [sflag:s28], $0x8000  }
0x12a: {  	[sflag:s28] =	ssyncset.done $0x0  }
0x12b: {  	s8 =	simm.s32 $0x10300;
	s0 =	rddreg [dreg:$0xa];
	[sflag:s28] =	ssyncadd.s32 $0xFFFF8000  }
0x12c: {  	[hbm4b:s0+s3] =	stream.linear.scatter [tilespmem:s8], [sflag:$0x6], $0x8000, $0x38;
	[tilespmem:$0x18300] =	vst v63  }
0x12d: {  	s0 =	simm.s32 $0x6  }
0x12e: {  	_ =	swait.ge [sflag:s0], $0x8000  }
0x12f: {  	[sflag:s0] =	ssyncset.done $0x0  }
0x130: {  	[sflag:s0] =	ssyncadd.s32 $0xFFFF8000  }
0x131: {  	v3 =	vld [tilespmem:$0xA0];
	_ =	sdelay $0x4  }
0x132: {  	v58 =	vshll.u32 v3, $0x3  }
0x133: {  	v3 =	vand.u32 $0x7, v3;
	v4 =	vand.u32 $0xFFFFFFC0, v58  }
0x134: {  	v3 =	vor.u32 v3, v4  }
0x135: {  	v4 =	vperm.xlane v3, v0;
	_ =	sdelay $0x1  }
0x136: {  	v4 =	vadd.s32 v1, v4;
	_ =	sdelay $0x4  }
0x137: {  	[tilespmem:s8], [sflag:$0x3] =	stream.indirect_vreg.gather [hbm4b:s1+s3], $0x80, v4, vm0, $0xb8;
	[tilespmem:$0x18300] =	vst v63  }
0x138: {  	v3 =	vperm.xlane v3, v2  }
0x139: {  	[tilespmem:s9], [sflag:$0x3] =	stream.indirect_vreg.gather [hbm4b:s5+s3], $0x80, v4, vm0, $0xb8;
	[tilespmem:$0x18300] =	vst v63  }
0x13a: {  	v3 =	vadd.s32 v1, v3  }
0x13b: {  	[tilespmem:s31], [sflag:$0x3] =	stream.indirect_vreg.gather [hbm4b:s6+s3], $0x80, v4, vm0, $0xb8;
	[tilespmem:$0x18300] =	vst v63  }
0x13c: {  	_ = 	snop  }
0x13d: {  	[tilespmem:s11], [sflag:$0x3] =	stream.indirect_vreg.gather [hbm4b:s7+s3], $0x80, v4, vm0, $0xb8;
	[tilespmem:$0x18300] =	vst v63  }
0x13e: {  	_ = 	snop  }
0x13f: {  	[tilespmem:s12], [sflag:$0x3] =	stream.indirect_vreg.gather [hbm4b:s1+s3], $0x80, v3, vm0, $0xb8;
	[tilespmem:$0x18300] =	vst v63  }
0x140: {  	_ = 	snop  }
0x141: {  	[tilespmem:s10], [sflag:$0x3] =	stream.indirect_vreg.gather [hbm4b:s5+s3], $0x80, v3, vm0, $0xb8;
	[tilespmem:$0x18300] =	vst v63  }
0x142: {  	_ = 	snop  }
0x143: {  	[tilespmem:s13], [sflag:$0x3] =	stream.indirect_vreg.gather [hbm4b:s6+s3], $0x80, v3, vm0, $0xb8;
	[tilespmem:$0x18300] =	vst v63  }
0x144: {  	_ = 	snop  }
0x145: {  	[tilespmem:s14], [sflag:$0x3] =	stream.indirect_vreg.gather [hbm4b:s7+s3], $0x80, v3, vm0, $0xb8;
	[tilespmem:$0x18300] =	vst v63  }
0x146: {  	v3 =	vld [tilespmem:$0xB0];
	_ =	sdelay $0x4  }
0x147: {  	v59 =	vshll.u32 v3, $0x3  }
0x148: {  	v3 =	vand.u32 $0x7, v3;
	v4 =	vand.u32 $0xFFFFFFC0, v59  }
0x149: {  	v3 =	vor.u32 v3, v4  }
0x14a: {  	v4 =	vperm.xlane v3, v0;
	_ =	sdelay $0x1  }
0x14b: {  	v4 =	vadd.s32 v1, v4;
	_ =	sdelay $0x4  }
0x14c: {  	[tilespmem:s15], [sflag:$0x3] =	stream.indirect_vreg.gather [hbm4b:s1+s3], $0x80, v4, vm0, $0xb8;
	[tilespmem:$0x18300] =	vst v63  }
0x14d: {  	v3 =	vperm.xlane v3, v2  }
0x14e: {  	[tilespmem:s16], [sflag:$0x3] =	stream.indirect_vreg.gather [hbm4b:s5+s3], $0x80, v4, vm0, $0xb8;
	[tilespmem:$0x18300] =	vst v63  }
0x14f: {  	v3 =	vadd.s32 v1, v3  }
0x150: {  	[tilespmem:s17], [sflag:$0x3] =	stream.indirect_vreg.gather [hbm4b:s6+s3], $0x80, v4, vm0, $0xb8;
	[tilespmem:$0x18300] =	vst v63  }
0x151: {  	_ = 	snop  }
0x152: {  	[tilespmem:s18], [sflag:$0x3] =	stream.indirect_vreg.gather [hbm4b:s7+s3], $0x80, v4, vm0, $0xb8;
	[tilespmem:$0x18300] =	vst v63  }
0x153: {  	_ = 	snop  }
0x154: {  	[tilespmem:s19], [sflag:$0x3] =	stream.indirect_vreg.gather [hbm4b:s1+s3], $0x80, v3, vm0, $0xb8;
	[tilespmem:$0x18300] =	vst v63  }
0x155: {  	_ = 	snop  }
0x156: {  	[tilespmem:s20], [sflag:$0x3] =	stream.indirect_vreg.gather [hbm4b:s5+s3], $0x80, v3, vm0, $0xb8;
	[tilespmem:$0x18300] =	vst v63  }
0x157: {  	_ = 	snop  }
0x158: {  	[tilespmem:s21], [sflag:$0x3] =	stream.indirect_vreg.gather [hbm4b:s6+s3], $0x80, v3, vm0, $0xb8;
	[tilespmem:$0x18300] =	vst v63  }
0x159: {  	_ = 	snop  }
0x15a: {  	[tilespmem:s30], [sflag:$0x3] =	stream.indirect_vreg.gather [hbm4b:s7+s3], $0x80, v3, vm0, $0xb8;
	[tilespmem:$0x18300] =	vst v63  }
0x15b: {  	_ =	swait.ge [sflag:s23], $0x8000  }
0x15c: {  	[sflag:s23] =	ssyncset.done $0x0  }
0x15d: {  	s9 =	simm.s32 $0x300;
	s8 =	rddreg [dreg:$0xb];
	[sflag:s23] =	ssyncadd.s32 $0xFFFF8000  }
0x15e: {  	[hbm4b:s8+s3] =	stream.linear.scatter [tilespmem:s9], [sflag:$0x4], $0x8000, $0x38;
	[tilespmem:$0x18300] =	vst v63  }
0x15f: {  	_ =	swait.ge [sflag:s24], $0x8000  }
0x160: {  	[sflag:s24] =	ssyncset.done $0x0  }
0x161: {  	[sflag:s24] =	ssyncadd.s32 $0xFFFF8000  }
0x162: {  	v3 =	vld [tilespmem:$0xC0];
	_ =	sdelay $0x4  }
0x163: {  	v60 =	vshll.u32 v3, $0x3  }
0x164: {  	v3 =	vand.u32 $0x7, v3;
	v4 =	vand.u32 $0xFFFFFFC0, v60  }
0x165: {  	v3 =	vor.u32 v3, v4  }
0x166: {  	v4 =	vperm.xlane v3, v0;
	_ =	sdelay $0x1  }
0x167: {  	v4 =	vadd.s32 v1, v4;
	_ =	sdelay $0x4  }
0x168: {  	[tilespmem:s9], [sflag:$0x1] =	stream.indirect_vreg.gather [hbm4b:s1+s3], $0x80, v4, vm0, $0xb8;
	[tilespmem:$0x18300] =	vst v63  }
0x169: {  	s10 =	simm.s32 $0xB00;
	v3 =	vperm.xlane v3, v2  }
0x16a: {  	[tilespmem:s10], [sflag:$0x1] =	stream.indirect_vreg.gather [hbm4b:s5+s3], $0x80, v4, vm0, $0xb8;
	[tilespmem:$0x18300] =	vst v63  }
0x16b: {  	s31 =	simm.s32 $0x1300;
	v3 =	vadd.s32 v1, v3  }
0x16c: {  	[tilespmem:s31], [sflag:$0x1] =	stream.indirect_vreg.gather [hbm4b:s6+s3], $0x80, v4, vm0, $0xb8;
	[tilespmem:$0x18300] =	vst v63  }
0x16d: {  	s9 =	simm.s32 $0x1B00  }
0x16e: {  	[tilespmem:s9], [sflag:$0x1] =	stream.indirect_vreg.gather [hbm4b:s7+s3], $0x80, v4, vm0, $0xb8;
	[tilespmem:$0x18300] =	vst v63  }
0x16f: {  	s10 =	simm.s32 $0x2300  }
0x170: {  	[tilespmem:s10], [sflag:$0x1] =	stream.indirect_vreg.gather [hbm4b:s1+s3], $0x80, v3, vm0, $0xb8;
	[tilespmem:$0x18300] =	vst v63  }
0x171: {  	_ = 	snop  }
0x172: {  	[tilespmem:s26], [sflag:$0x1] =	stream.indirect_vreg.gather [hbm4b:s5+s3], $0x80, v3, vm0, $0xb8;
	[tilespmem:$0x18300] =	vst v63  }
0x173: {  	s26 =	simm.s32 $0x3300  }
0x174: {  	[tilespmem:s26], [sflag:$0x1] =	stream.indirect_vreg.gather [hbm4b:s6+s3], $0x80, v3, vm0, $0xb8;
	[tilespmem:$0x18300] =	vst v63  }
0x175: {  	s31 =	simm.s32 $0x3B00  }
0x176: {  	[tilespmem:s31], [sflag:$0x1] =	stream.indirect_vreg.gather [hbm4b:s7+s3], $0x80, v3, vm0, $0xb8;
	[tilespmem:$0x18300] =	vst v63  }
0x177: {  	v3 =	vld [tilespmem:$0xD0];
	_ =	sdelay $0x4  }
0x178: {  	v61 =	vshll.u32 v3, $0x3  }
0x179: {  	v3 =	vand.u32 $0x7, v3;
	v4 =	vand.u32 $0xFFFFFFC0, v61  }
0x17a: {  	v3 =	vor.u32 v3, v4  }
0x17b: {  	v4 =	vperm.xlane v3, v0;
	_ =	sdelay $0x1  }
0x17c: {  	v4 =	vadd.s32 v1, v4;
	_ =	sdelay $0x3  }
0x17d: {  	s9 =	simm.s32 $0x4300  }
0x17e: {  	[tilespmem:s9], [sflag:$0x1] =	stream.indirect_vreg.gather [hbm4b:s1+s3], $0x80, v4, vm0, $0xb8;
	[tilespmem:$0x18300] =	vst v63  }
0x17f: {  	s10 =	simm.s32 $0x4B00;
	v3 =	vperm.xlane v3, v2  }
0x180: {  	[tilespmem:s10], [sflag:$0x1] =	stream.indirect_vreg.gather [hbm4b:s5+s3], $0x80, v4, vm0, $0xb8;
	[tilespmem:$0x18300] =	vst v63  }
0x181: {  	s26 =	simm.s32 $0x5300;
	v3 =	vadd.s32 v1, v3  }
0x182: {  	[tilespmem:s26], [sflag:$0x1] =	stream.indirect_vreg.gather [hbm4b:s6+s3], $0x80, v4, vm0, $0xb8;
	[tilespmem:$0x18300] =	vst v63  }
0x183: {  	s31 =	simm.s32 $0x5B00  }
0x184: {  	[tilespmem:s31], [sflag:$0x1] =	stream.indirect_vreg.gather [hbm4b:s7+s3], $0x80, v4, vm0, $0xb8;
	[tilespmem:$0x18300] =	vst v63  }
0x185: {  	s9 =	simm.s32 $0x6300  }
0x186: {  	[tilespmem:s9], [sflag:$0x1] =	stream.indirect_vreg.gather [hbm4b:s1+s3], $0x80, v3, vm0, $0xb8;
	[tilespmem:$0x18300] =	vst v63  }
0x187: {  	s10 =	simm.s32 $0x6B00  }
0x188: {  	[tilespmem:s10], [sflag:$0x1] =	stream.indirect_vreg.gather [hbm4b:s5+s3], $0x80, v3, vm0, $0xb8;
	[tilespmem:$0x18300] =	vst v63  }
0x189: {  	s26 =	simm.s32 $0x7300  }
0x18a: {  	[tilespmem:s26], [sflag:$0x1] =	stream.indirect_vreg.gather [hbm4b:s6+s3], $0x80, v3, vm0, $0xb8;
	[tilespmem:$0x18300] =	vst v63  }
0x18b: {  	s31 =	simm.s32 $0x7B00  }
0x18c: {  	[tilespmem:s31], [sflag:$0x1] =	stream.indirect_vreg.gather [hbm4b:s7+s3], $0x80, v3, vm0, $0xb8;
	[tilespmem:$0x18300] =	vst v63  }
0x18d: {  	_ =	swait.ge [sflag:s25], $0x8000  }
0x18e: {  	[sflag:s25] =	ssyncset.done $0x0  }
0x18f: {  	s29 =	simm.s32 $0x8300;
	s9 =	rddreg [dreg:$0xc];
	[sflag:s25] =	ssyncadd.s32 $0xFFFF8000  }
0x190: {  	[hbm4b:s9+s3] =	stream.linear.scatter [tilespmem:s29], [sflag:$0x5], $0x8000, $0x38;
	[tilespmem:$0x18300] =	vst v63  }
0x191: {  	_ =	swait.ge [sflag:s4], $0x8000  }
0x192: {  	[sflag:s4] =	ssyncset.done $0x0  }
0x193: {  	[sflag:s4] =	ssyncadd.s32 $0xFFFF8000  }
0x194: {  	v3 =	vld [tilespmem:$0xE0];
	_ =	sdelay $0x4  }
0x195: {  	v62 =	vshll.u32 v3, $0x3  }
0x196: {  	v3 =	vand.u32 $0x7, v3;
	v4 =	vand.u32 $0xFFFFFFC0, v62  }
0x197: {  	v3 =	vor.u32 v3, v4  }
0x198: {  	v4 =	vperm.xlane v3, v0;
	_ =	sdelay $0x1  }
0x199: {  	v4 =	vadd.s32 v1, v4;
	_ =	sdelay $0x4  }
0x19a: {  	[tilespmem:s29], [sflag:$0x2] =	stream.indirect_vreg.gather [hbm4b:s1+s3], $0x80, v4, vm0, $0xb8;
	[tilespmem:$0x18300] =	vst v63  }
0x19b: {  	s10 =	simm.s32 $0x8B00;
	v3 =	vperm.xlane v3, v2  }
0x19c: {  	[tilespmem:s10], [sflag:$0x2] =	stream.indirect_vreg.gather [hbm4b:s5+s3], $0x80, v4, vm0, $0xb8;
	[tilespmem:$0x18300] =	vst v63  }
0x19d: {  	s26 =	simm.s32 $0x9300;
	v3 =	vadd.s32 v1, v3  }
0x19e: {  	[tilespmem:s26], [sflag:$0x2] =	stream.indirect_vreg.gather [hbm4b:s6+s3], $0x80, v4, vm0, $0xb8;
	[tilespmem:$0x18300] =	vst v63  }
0x19f: {  	s31 =	simm.s32 $0x9B00  }
0x1a0: {  	[tilespmem:s31], [sflag:$0x2] =	stream.indirect_vreg.gather [hbm4b:s7+s3], $0x80, v4, vm0, $0xb8;
	[tilespmem:$0x18300] =	vst v63  }
0x1a1: {  	s9 =	simm.s32 $0xA300  }
0x1a2: {  	[tilespmem:s9], [sflag:$0x2] =	stream.indirect_vreg.gather [hbm4b:s1+s3], $0x80, v3, vm0, $0xb8;
	[tilespmem:$0x18300] =	vst v63  }
0x1a3: {  	s10 =	simm.s32 $0xAB00  }
0x1a4: {  	[tilespmem:s10], [sflag:$0x2] =	stream.indirect_vreg.gather [hbm4b:s5+s3], $0x80, v3, vm0, $0xb8;
	[tilespmem:$0x18300] =	vst v63  }
0x1a5: {  	s26 =	simm.s32 $0xB300  }
0x1a6: {  	[tilespmem:s26], [sflag:$0x2] =	stream.indirect_vreg.gather [hbm4b:s6+s3], $0x80, v3, vm0, $0xb8;
	[tilespmem:$0x18300] =	vst v63  }
0x1a7: {  	s31 =	simm.s32 $0xBB00  }
0x1a8: {  	[tilespmem:s31], [sflag:$0x2] =	stream.indirect_vreg.gather [hbm4b:s7+s3], $0x80, v3, vm0, $0xb8;
	[tilespmem:$0x18300] =	vst v63  }
0x1a9: {  	v3 =	vld [tilespmem:$0xF0];
	_ =	sdelay $0x4  }
0x1aa: {  	v63 =	vshll.u32 v3, $0x3  }
0x1ab: {  	v3 =	vand.u32 $0x7, v3;
	v4 =	vand.u32 $0xFFFFFFC0, v63  }
0x1ac: {  	v3 =	vor.u32 v3, v4  }
0x1ad: {  	v4 =	vperm.xlane v3, v0;
	_ =	sdelay $0x1  }
0x1ae: {  	v4 =	vadd.s32 v1, v4;
	_ =	sdelay $0x3  }
0x1af: {  	s9 =	simm.s32 $0xC300  }
0x1b0: {  	[tilespmem:s9], [sflag:$0x2] =	stream.indirect_vreg.gather [hbm4b:s1+s3], $0x80, v4, vm0, $0xb8;
	[tilespmem:$0x18300] =	vst v63  }
0x1b1: {  	s10 =	simm.s32 $0xCB00;
	v3 =	vperm.xlane v3, v2  }
0x1b2: {  	[tilespmem:s10], [sflag:$0x2] =	stream.indirect_vreg.gather [hbm4b:s5+s3], $0x80, v4, vm0, $0xb8;
	[tilespmem:$0x18300] =	vst v63  }
0x1b3: {  	s26 =	simm.s32 $0xD300;
	v3 =	vadd.s32 v1, v3  }
0x1b4: {  	[tilespmem:s26], [sflag:$0x2] =	stream.indirect_vreg.gather [hbm4b:s6+s3], $0x80, v4, vm0, $0xb8;
	[tilespmem:$0x18300] =	vst v63  }
0x1b5: {  	s31 =	simm.s32 $0xDB00  }
0x1b6: {  	[tilespmem:s31], [sflag:$0x2] =	stream.indirect_vreg.gather [hbm4b:s7+s3], $0x80, v4, vm0, $0xb8;
	[tilespmem:$0x18300] =	vst v63  }
0x1b7: {  	s9 =	simm.s32 $0xE300  }
0x1b8: {  	[tilespmem:s9], [sflag:$0x2] =	stream.indirect_vreg.gather [hbm4b:s1+s3], $0x80, v3, vm0, $0xb8;
	[tilespmem:$0x18300] =	vst v63  }
0x1b9: {  	s10 =	simm.s32 $0xEB00  }
0x1ba: {  	[tilespmem:s10], [sflag:$0x2] =	stream.indirect_vreg.gather [hbm4b:s5+s3], $0x80, v3, vm0, $0xb8;
	[tilespmem:$0x18300] =	vst v63  }
0x1bb: {  	s26 =	simm.s32 $0xF300  }
0x1bc: {  	[tilespmem:s26], [sflag:$0x2] =	stream.indirect_vreg.gather [hbm4b:s6+s3], $0x80, v3, vm0, $0xb8;
	[tilespmem:$0x18300] =	vst v63  }
0x1bd: {  	s31 =	simm.s32 $0xFB00  }
0x1be: {  	[tilespmem:s31], [sflag:$0x2] =	stream.indirect_vreg.gather [hbm4b:s7+s3], $0x80, v3, vm0, $0xb8;
	[tilespmem:$0x18300] =	vst v63  }
0x1bf: {  	_ =	swait.ge [sflag:s28], $0x8000  }
0x1c0: {  	[sflag:s28] =	ssyncset.done $0x0  }
0x1c1: {  	s10 =	simm.s32 $0x10300;
	s9 =	rddreg [dreg:$0xd];
	[sflag:s28] =	ssyncadd.s32 $0xFFFF8000  }
0x1c2: {  	[hbm4b:s9+s3] =	stream.linear.scatter [tilespmem:s10], [sflag:$0x6], $0x8000, $0x38;
	[tilespmem:$0x18300] =	vst v63  }
0x1c3: {  	_ =	swait.ge [sflag:s0], $0x8000  }
0x1c4: {  	[sflag:s0] =	ssyncset.done $0x0  }
0x1c5: {  	[sflag:s0] =	ssyncadd.s32 $0xFFFF8000  }
0x1c6: {  	_ =	swait.ge [sflag:s23], $0x8000  }
0x1c7: {  	[sflag:s23] =	ssyncset.done $0x0  }
0x1c8: {  	s8 =	simm.s32 $0x300;
	s26 =	rddreg [dreg:$0xe];
	[sflag:s23] =	ssyncadd.s32 $0xFFFF8000  }
0x1c9: {  	[hbm4b:s26+s3] =	stream.linear.scatter [tilespmem:s8], [sflag:$0x4], $0x8000, $0x38;
	[tilespmem:$0x18300] =	vst v63  }
0x1ca: {  	_ =	swait.ge [sflag:s24], $0x8000  }
0x1cb: {  	[sflag:s24] =	ssyncset.done $0x0  }
0x1cc: {  	[sflag:s24] =	ssyncadd.s32 $0xFFFF8000  }
0x1cd: {  	_ =	swait.ge [sflag:s25], $0x8000  }
0x1ce: {  	[sflag:s25] =	ssyncset.done $0x0  }
0x1cf: {  	s28 =	rddreg [dreg:$0xf];
	[sflag:s25] =	ssyncadd.s32 $0xFFFF8000  }
0x1d0: {  	[hbm4b:s28+s3] =	stream.linear.scatter [tilespmem:s29], [sflag:$0x5], $0x8000, $0x38;
	[tilespmem:$0x18300] =	vst v63  }
0x1d1: {  	p0 =	sne.s32 s22, $0x1;
	_ =	swait.ge [sflag:s4], $0x8000  }
.Ltmp0:
0x1d2: {  	[sflag:s4] =	ssyncset.done $0x0;
	(pc) =	sbr.rel @p0 .LBB2_1-.Ltmp0, $4  }
0x1d3: {  	s31 =	simm.s32 $0x7;
	[sflag:s4] =	ssyncadd.s32 $0xFFFF8000  }
0x1d4: {  	_ =	swait.ge [sflag:s31], $0x100  }
0x1d5: {  	[sflag:s31] =	ssyncset.done $0x0  }
0x1d6: {  	s22 =	sadd.s32 $0xFFFFFFFF, s22;
	[sflag:s31] =	ssyncadd.s32 $0xFFFFFF00  }
0x1d7: {  	_ =	sfence.sel $0x180000  }
0x1d8: {  	[bflag:$0x0] =	sbarrier.arrive $0xFFFF  }
0x1d9: {  	_ =	strace $0x90000047  }
0x1da: {  	s0 =	stileid.u32;
	[bflag:$0x2] =	sbarrier.arrive $0xFFFF  }
0x1db: {  	p0 =	sne.s32 s0, $0x0;
	s0 =	rddreg [dreg:$0x5]  }
0x1dc: {  	s0 =	sadd.s32 @!p0 $0x100000, s0  }
0x1dd: {  	[sflag:s0] =	ssyncadd.tile.s32 @!p0 $0x1;
	_ =	shalt  }
.Lfunc_end2:
_tile_overlayer_lowered:
.L_overlay_start_2:
0x1de: {  	(tag) =	ssettag $0x2  }
0x1df: {  	s0 =	rddreg [dreg:$0x0];
	s2 =	stileid.u32  }
0x1e0: {  	s1 =	rddreg [dreg:$0x1];
	p0 =	sne.s32 s2, $0x0  }
0x1e1: {  	s3 =	rddreg [dreg:$0x2];
	[bflag:$0x3] =	sbarrier.arrive $0xFFFF;
	s2 =	simm.s32 @!p0 $0x1C08  }
0x1e2: {  	[timem:s3], [sflag:s2] =	dma.local @!p0 [hbm:s0], s1  }
0x1e3: {  	s0 =	simm.s32 @!p0 $0x8  }
0x1e4: {  	_ =	swait.ge @!p0 [sflag:s0], s1  }
0x1e5: {  	s1 =	ssub.s32 @!p0 $0x0, s1;
	[sflag:s0] =	ssyncset.done @!p0 $0x0  }
0x1e6: {  	[sflag:s0] =	ssyncadd.s32 @!p0 s1  }
0x1e7: {  	[bflag:$0x3] =	sbarrier.arrive $0xFFFF  }
0x1e8: {  	_ =	shalt  }

</sc_bundles>
